<compile_context>
chip_gen: v7x
topology: tpu7x:2x2x1
jax: 0.10.2.dev20260603
libtpu: 0.0.44.dev20260713+nightly
codegen_flags: <defaults>
</compile_context>

<pallas_src>
import functools

import jax
import jax.numpy as jnp
from jax import lax
from jax.experimental import pallas as pl
from jax.experimental.pallas import tpu as pltpu
from jax.experimental.pallas import tpu_sc as plsc

N = 10000
E = 320000
D = 128
NW = 32
K = 128
C = 80
EPAD = NW * C * K
NPAD = 10240
ZR = NPAD // 16


def _make_agg():
    mesh = plsc.VectorSubcoreMesh(core_axis_name="c", subcore_axis_name="s")

    @functools.partial(
        pl.kernel,
        out_type=(
            jax.ShapeDtypeStruct((2, NPAD, D), jnp.float32),
            jax.ShapeDtypeStruct((2, NPAD), jnp.float32),
        ),
        mesh=mesh,
        scratch_types=[
            pltpu.VMEM((C * K,), jnp.int32),
            pltpu.VMEM((C * K,), jnp.int32),
            pltpu.VMEM((K, D), jnp.float32),
            pltpu.VMEM((C * K,), jnp.float32),
            pltpu.VMEM_SHARED((NPAD, D), jnp.float32),
            pltpu.VMEM_SHARED((NPAD,), jnp.float32),
            pltpu.SemaphoreType.DMA,
            pltpu.SemaphoreType.DMA,
        ],
    )
    def agg(feat_hbm, srcs_hbm, dsts_hbm, zrows_hbm, zcnt_hbm, ones_hbm,
            agg_out, cnt_out,
            src_v, dst_v, rows_v, ones_v, acc_sh, cnt_sh, sem, sem2):
        cid = lax.axis_index("c")
        sid = lax.axis_index("s")
        wid = sid * 2 + cid

        pltpu.sync_copy(zrows_hbm, acc_sh.at[pl.ds(sid * ZR, ZR)])
        pltpu.sync_copy(zcnt_hbm.at[pl.ds(sid * ZR, ZR)],
                        cnt_sh.at[pl.ds(sid * ZR, ZR)])

        pltpu.sync_copy(srcs_hbm.at[wid], src_v)
        pltpu.sync_copy(dsts_hbm.at[wid], dst_v)
        pltpu.sync_copy(ones_hbm, ones_v)

        plsc.subcore_barrier()

        cnt_cp = pltpu.async_copy(ones_v, cnt_sh.at[dst_v], sem2, add=True)

        def body(c, carry):
            pltpu.async_copy(feat_hbm.at[src_v.at[pl.ds(c * K, K)]],
                             rows_v, sem).wait()
            pltpu.sync_copy(rows_v, acc_sh.at[dst_v.at[pl.ds(c * K, K)]],
                            add=True)
            return carry

        lax.fori_loop(0, C, body, 0)
        cnt_cp.wait()

        plsc.subcore_barrier()

        pltpu.sync_copy(acc_sh.at[pl.ds(sid * ZR, ZR)],
                        agg_out.at[cid, pl.ds(sid * ZR, ZR)])
        pltpu.sync_copy(cnt_sh.at[pl.ds(sid * ZR, ZR)],
                        cnt_out.at[cid, pl.ds(sid * ZR, ZR)])

    return agg


_agg = _make_agg()


def _dense_body(relu, aggp, cntp, x, wl, wr, b, o):
    a = aggp[0, :, :] + aggp[1, :, :]
    cnt = cntp[0, :, :] + cntp[1, :, :]
    mean = a * (1.0 / jnp.maximum(cnt, 1.0))
    acc = jnp.dot(mean, wl[...], preferred_element_type=jnp.float32,
                  precision=lax.Precision.HIGHEST)
    acc += jnp.dot(x[...], wr[...], preferred_element_type=jnp.float32,
                   precision=lax.Precision.HIGHEST)
    acc += b[...]
    if relu:
        acc = jnp.maximum(acc, 0.0)
    o[...] = acc


def _make_dense(relu):
    R = 400
    return pl.pallas_call(
        functools.partial(_dense_body, relu),
        grid=(N // R,),
        in_specs=[
            pl.BlockSpec((2, R, D), lambda i: (0, i, 0)),
            pl.BlockSpec((2, R, 1), lambda i: (0, i, 0)),
            pl.BlockSpec((R, D), lambda i: (i, 0)),
            pl.BlockSpec((D, D), lambda i: (0, 0)),
            pl.BlockSpec((D, D), lambda i: (0, 0)),
            pl.BlockSpec((1, D), lambda i: (0, 0)),
        ],
        out_specs=pl.BlockSpec((R, D), lambda i: (i, 0)),
        out_shape=jax.ShapeDtypeStruct((N, D), jnp.float32),
    )


_dense_relu = _make_dense(True)
_dense_lin = _make_dense(False)


def kernel(x, edge_index, W1_l, b1_l, W1_r, W2_l, b2_l, W2_r):
    src = edge_index[0].astype(jnp.int32)
    dst = edge_index[1].astype(jnp.int32)
    pad = EPAD - E
    src_p = jnp.concatenate([src, jnp.zeros((pad,), jnp.int32)]).reshape(NW, C * K)
    dst_p = jnp.concatenate([dst, jnp.full((pad,), N, jnp.int32)]).reshape(NW, C * K)
    zrows = jnp.zeros((ZR, D), jnp.float32)
    zcnt = jnp.zeros((NPAD,), jnp.float32)
    ones = jnp.ones((C * K,), jnp.float32)

    agg1, cnt1 = _agg(x, src_p, dst_p, zrows, zcnt, ones)
    h = _dense_relu(agg1, cnt1[:, :, None], x, W1_l, W1_r, b1_l.reshape(1, D))
    agg2, _ = _agg(h, src_p, dst_p, zrows, zcnt, ones)
    out = _dense_lin(agg2, cnt1[:, :, None], h, W2_l, W2_r, b2_l.reshape(1, D))
    return out

# --- scband reference (transcript-rebuilt; emitter-appended) ---
"""Pipeline reference for scband-graph-sage-16381005267298 (READ-ONLY COPY).

The authoritative reference and input builder live on the scoring server;
editing this copy changes nothing except your own understanding.
"""

import jax, jax.numpy as jnp
import numpy as np

N = 10000
E = 320000
D = 128
H = 128
O = 128


def _sage_conv(x, src, dst, W_l, b_l, W_r, num_nodes):
    # PyG SAGEConv (mean aggregator): out = lin_l(mean_j x_j) + lin_r(x)
    msg = jnp.take(x, src, axis=0)                      # gather over src nodes
    agg = jax.ops.segment_sum(msg, dst, num_segments=num_nodes)
    cnt = jax.ops.segment_sum(jnp.ones((src.shape[0],), dtype=x.dtype), dst,
                              num_segments=num_nodes)
    mean = agg / jnp.clip(cnt, 1.0, None)[:, None]
    return mean @ W_l + b_l + x @ W_r


def setup_inputs(seed: int = 0) -> dict:
    key = jax.random.key(seed)
    ks = jax.random.split(key, 8)
    x = jax.random.normal(ks[0], (N, D), dtype=jnp.float32)
    edge_index = jax.random.randint(ks[1], (2, E), 0, N, dtype=jnp.int32).astype(jnp.int64)
    s1 = 1.0 / np.sqrt(D)
    s2 = 1.0 / np.sqrt(H)
    W1_l = jax.random.normal(ks[2], (D, H), dtype=jnp.float32) * s1
    b1_l = jnp.zeros((H,), dtype=jnp.float32)
    W1_r = jax.random.normal(ks[3], (D, H), dtype=jnp.float32) * s1
    W2_l = jax.random.normal(ks[4], (H, O), dtype=jnp.float32) * s2
    b2_l = jnp.zeros((O,), dtype=jnp.float32)
    W2_r = jax.random.normal(ks[5], (H, O), dtype=jnp.float32) * s2
    return {"x": x, "edge_index": edge_index,
            "W1_l": W1_l, "b1_l": b1_l, "W1_r": W1_r,
            "W2_l": W2_l, "b2_l": b2_l, "W2_r": W2_r}


def reference(x, edge_index, W1_l, b1_l, W1_r, W2_l, b2_l, W2_r):
    src = edge_index[0]
    dst = edge_index[1]
    h = _sage_conv(x, src, dst, W1_l, b1_l, W1_r, N)
    h = jax.nn.relu(h)
    out = _sage_conv(h, src, dst, W2_l, b2_l, W2_r, N)
    return out

if __name__ == "__main__":
    import jax
    _d = setup_inputs()
    print(jax.jit(kernel)(*tuple(_d.values())))

</pallas_src>

<mosaic_0001>
#map = affine_map<(d0, d1) -> (0, 0)>
#map1 = affine_map<(d0, d1) -> (0)>
#map2 = affine_map<(d0, d1) -> (0, 0, 0)>
module attributes {stable_mosaic.version = 14 : i64} {
  func.func @agg(%arg0: i32, %arg1: i32, %arg2: memref<10000x128xf32, #tpu.memory_space<hbm>>, %arg3: memref<32x10240xi32, #tpu.memory_space<hbm>>, %arg4: memref<32x10240xi32, #tpu.memory_space<hbm>>, %arg5: memref<640x128xf32, #tpu.memory_space<hbm>>, %arg6: memref<10240xf32, #tpu.memory_space<hbm>>, %arg7: memref<10240xf32, #tpu.memory_space<hbm>>, %arg8: memref<2x10240x128xf32, #tpu.memory_space<hbm>>, %arg9: memref<2x10240xf32, #tpu.memory_space<hbm>>, %arg10: memref<10240xi32, #tpu.memory_space<vmem>>, %arg11: memref<10240xi32, #tpu.memory_space<vmem>>, %arg12: memref<128x128xf32, #tpu.memory_space<vmem>>, %arg13: memref<10240xf32, #tpu.memory_space<vmem>>, %arg14: memref<10240x128xf32, #tpu.memory_space<vmem_shared>>, %arg15: memref<10240xf32, #tpu.memory_space<vmem_shared>>, %arg16: memref<!tpu.dma_semaphore, #tpu.memory_space<semaphore_mem>>, %arg17: memref<!tpu.dma_semaphore, #tpu.memory_space<semaphore_mem>>) attributes {dimension_semantics = [#tpu.dimension_semantics<core_parallel>, #tpu.dimension_semantics<subcore_parallel>], iteration_bounds = array<i64: 2, 16>, scalar_prefetch = 0 : i64, scratch_operands = 8 : i64, tpu.core_type = #tpu.core_type<sc_vector_subcore>, window_params = [{transform_indices = #map}, {transform_indices = #map}, {transform_indices = #map}, {transform_indices = #map}, {transform_indices = #map1}, {transform_indices = #map1}, {transform_indices = #map2}, {transform_indices = #map}]} {
    %mul3A = arith.constant 2 : i32
    %mul3A_0 = arith.muli %arg1, %mul3A : i32
    %add3A = arith.addi %mul3A_0, %arg0 : i32
    %mul3A_1 = arith.constant 640 : i32
    %mul3A_2 = arith.muli %arg1, %mul3A_1 : i32
    "tpu.region"() ({
      %run_scoped3A = tpu.sem_alloc : memref<!tpu.dma_semaphore, #tpu.memory_space<semaphore_mem>>
      %dma_start3A_23 = arith.constant 0 : i32
      %dma_start3A_24 = tpu.memref_slice %arg14[%mul3A_2, %dma_start3A_23] : memref<10240x128xf32, #tpu.memory_space<vmem_shared>> -> memref<640x128xf32, #tpu.memory_space<vmem_shared>>
      tpu.enqueue_dma source(%arg5 : memref<640x128xf32, #tpu.memory_space<hbm>>) target(%dma_start3A_24 : memref<640x128xf32, #tpu.memory_space<vmem_shared>>) target_semaphore(%run_scoped3A : memref<!tpu.dma_semaphore, #tpu.memory_space<semaphore_mem>>)
      %dma_wait3A_25 = arith.constant 0 : i32
      %dma_wait3A_26 = tpu.memref_slice %arg14[%mul3A_2, %dma_wait3A_25] : memref<10240x128xf32, #tpu.memory_space<vmem_shared>> -> memref<640x128xf32, #tpu.memory_space<vmem_shared>>
      tpu.wait_dma2 semaphore(%run_scoped3A : memref<!tpu.dma_semaphore, #tpu.memory_space<semaphore_mem>>) src(%arg5 : memref<640x128xf32, #tpu.memory_space<hbm>>) dst(%dma_wait3A_26 : memref<640x128xf32, #tpu.memory_space<vmem_shared>>)
      tpu.yield
    }) : () -> ()
    %mul3A_3 = arith.constant 640 : i32
    %mul3A_4 = arith.muli %arg1, %mul3A_3 : i32
    %mul3A_5 = arith.constant 640 : i32
    %mul3A_6 = arith.muli %arg1, %mul3A_5 : i32
    "tpu.region"() ({
      %run_scoped3A = tpu.sem_alloc : memref<!tpu.dma_semaphore, #tpu.memory_space<semaphore_mem>>
      %dma_start3A_23 = tpu.memref_slice %arg15[%mul3A_6] : memref<10240xf32, #tpu.memory_space<vmem_shared>> -> memref<640xf32, #tpu.memory_space<vmem_shared>>
      %dma_start3A_24 = tpu.memref_slice %arg6[%mul3A_4] : memref<10240xf32, #tpu.memory_space<hbm>> -> memref<640xf32, #tpu.memory_space<hbm>>
      tpu.enqueue_dma source(%dma_start3A_24 : memref<640xf32, #tpu.memory_space<hbm>>) target(%dma_start3A_23 : memref<640xf32, #tpu.memory_space<vmem_shared>>) target_semaphore(%run_scoped3A : memref<!tpu.dma_semaphore, #tpu.memory_space<semaphore_mem>>)
      %dma_wait3A_25 = tpu.memref_slice %arg15[%mul3A_6] : memref<10240xf32, #tpu.memory_space<vmem_shared>> -> memref<640xf32, #tpu.memory_space<vmem_shared>>
      %dma_wait3A_26 = tpu.memref_slice %arg6[%mul3A_4] : memref<10240xf32, #tpu.memory_space<hbm>> -> memref<640xf32, #tpu.memory_space<hbm>>
      tpu.wait_dma2 semaphore(%run_scoped3A : memref<!tpu.dma_semaphore, #tpu.memory_space<semaphore_mem>>) src(%dma_wait3A_26 : memref<640xf32, #tpu.memory_space<hbm>>) dst(%dma_wait3A_25 : memref<640xf32, #tpu.memory_space<vmem_shared>>)
      tpu.yield
    }) : () -> ()
    "tpu.region"() ({
      %run_scoped3A = tpu.sem_alloc : memref<!tpu.dma_semaphore, #tpu.memory_space<semaphore_mem>>
      %dma_start3A_23 = arith.constant 0 : i32
      %dma_start3A_24 = tpu.memref_slice %arg3[%add3A, %dma_start3A_23] : memref<32x10240xi32, #tpu.memory_space<hbm>> -> memref<1x10240xi32, #tpu.memory_space<hbm>>
      %dma_start3A_25 = tpu.memref_squeeze %dma_start3A_24 : memref<1x10240xi32, #tpu.memory_space<hbm>> -> memref<10240xi32, #tpu.memory_space<hbm>>
      %dma_start3A_26 = arith.constant 0 : i32
      %dma_start3A_27 = tpu.memref_slice %arg3[%add3A, %dma_start3A_26] : memref<32x10240xi32, #tpu.memory_space<hbm>> -> memref<1x10240xi32, #tpu.memory_space<hbm>>
      %dma_start3A_28 = tpu.memref_squeeze %dma_start3A_27 : memref<1x10240xi32, #tpu.memory_space<hbm>> -> memref<10240xi32, #tpu.memory_space<hbm>>
      tpu.enqueue_dma source(%dma_start3A_28 : memref<10240xi32, #tpu.memory_space<hbm>>) target(%arg10 : memref<10240xi32, #tpu.memory_space<vmem>>) target_semaphore(%run_scoped3A : memref<!tpu.dma_semaphore, #tpu.memory_space<semaphore_mem>>)
      %dma_wait3A_29 = arith.constant 0 : i32
      %dma_wait3A_30 = tpu.memref_slice %arg3[%add3A, %dma_wait3A_29] : memref<32x10240xi32, #tpu.memory_space<hbm>> -> memref<1x10240xi32, #tpu.memory_space<hbm>>
      %dma_wait3A_31 = tpu.memref_squeeze %dma_wait3A_30 : memref<1x10240xi32, #tpu.memory_space<hbm>> -> memref<10240xi32, #tpu.memory_space<hbm>>
      %dma_wait3A_32 = arith.constant 0 : i32
      %dma_wait3A_33 = tpu.memref_slice %arg3[%add3A, %dma_wait3A_32] : memref<32x10240xi32, #tpu.memory_space<hbm>> -> memref<1x10240xi32, #tpu.memory_space<hbm>>
      %dma_wait3A_34 = tpu.memref_squeeze %dma_wait3A_33 : memref<1x10240xi32, #tpu.memory_space<hbm>> -> memref<10240xi32, #tpu.memory_space<hbm>>
      tpu.wait_dma2 semaphore(%run_scoped3A : memref<!tpu.dma_semaphore, #tpu.memory_space<semaphore_mem>>) src(%dma_wait3A_34 : memref<10240xi32, #tpu.memory_space<hbm>>) dst(%arg10 : memref<10240xi32, #tpu.memory_space<vmem>>)
      tpu.yield
    }) : () -> ()
    "tpu.region"() ({
      %run_scoped3A = tpu.sem_alloc : memref<!tpu.dma_semaphore, #tpu.memory_space<semaphore_mem>>
      %dma_start3A_23 = arith.constant 0 : i32
      %dma_start3A_24 = tpu.memref_slice %arg4[%add3A, %dma_start3A_23] : memref<32x10240xi32, #tpu.memory_space<hbm>> -> memref<1x10240xi32, #tpu.memory_space<hbm>>
      %dma_start3A_25 = tpu.memref_squeeze %dma_start3A_24 : memref<1x10240xi32, #tpu.memory_space<hbm>> -> memref<10240xi32, #tpu.memory_space<hbm>>
      %dma_start3A_26 = arith.constant 0 : i32
      %dma_start3A_27 = tpu.memref_slice %arg4[%add3A, %dma_start3A_26] : memref<32x10240xi32, #tpu.memory_space<hbm>> -> memref<1x10240xi32, #tpu.memory_space<hbm>>
      %dma_start3A_28 = tpu.memref_squeeze %dma_start3A_27 : memref<1x10240xi32, #tpu.memory_space<hbm>> -> memref<10240xi32, #tpu.memory_space<hbm>>
      tpu.enqueue_dma source(%dma_start3A_28 : memref<10240xi32, #tpu.memory_space<hbm>>) target(%arg11 : memref<10240xi32, #tpu.memory_space<vmem>>) target_semaphore(%run_scoped3A : memref<!tpu.dma_semaphore, #tpu.memory_space<semaphore_mem>>)
      %dma_wait3A_29 = arith.constant 0 : i32
      %dma_wait3A_30 = tpu.memref_slice %arg4[%add3A, %dma_wait3A_29] : memref<32x10240xi32, #tpu.memory_space<hbm>> -> memref<1x10240xi32, #tpu.memory_space<hbm>>
      %dma_wait3A_31 = tpu.memref_squeeze %dma_wait3A_30 : memref<1x10240xi32, #tpu.memory_space<hbm>> -> memref<10240xi32, #tpu.memory_space<hbm>>
      %dma_wait3A_32 = arith.constant 0 : i32
      %dma_wait3A_33 = tpu.memref_slice %arg4[%add3A, %dma_wait3A_32] : memref<32x10240xi32, #tpu.memory_space<hbm>> -> memref<1x10240xi32, #tpu.memory_space<hbm>>
      %dma_wait3A_34 = tpu.memref_squeeze %dma_wait3A_33 : memref<1x10240xi32, #tpu.memory_space<hbm>> -> memref<10240xi32, #tpu.memory_space<hbm>>
      tpu.wait_dma2 semaphore(%run_scoped3A : memref<!tpu.dma_semaphore, #tpu.memory_space<semaphore_mem>>) src(%dma_wait3A_34 : memref<10240xi32, #tpu.memory_space<hbm>>) dst(%arg11 : memref<10240xi32, #tpu.memory_space<vmem>>)
      tpu.yield
    }) : () -> ()
    "tpu.region"() ({
      %run_scoped3A = tpu.sem_alloc : memref<!tpu.dma_semaphore, #tpu.memory_space<semaphore_mem>>
      tpu.enqueue_dma source(%arg7 : memref<10240xf32, #tpu.memory_space<hbm>>) target(%arg13 : memref<10240xf32, #tpu.memory_space<vmem>>) target_semaphore(%run_scoped3A : memref<!tpu.dma_semaphore, #tpu.memory_space<semaphore_mem>>)
      tpu.wait_dma2 semaphore(%run_scoped3A : memref<!tpu.dma_semaphore, #tpu.memory_space<semaphore_mem>>) src(%arg7 : memref<10240xf32, #tpu.memory_space<hbm>>) dst(%arg13 : memref<10240xf32, #tpu.memory_space<vmem>>)
      tpu.yield
    }) : () -> ()
    %barrier3A = arith.constant 0 : index
    tpu.barrier barrier_id(%barrier3A)
    %dma_start3A = arith.constant 0 : i32
    %dma_start3A_7 = tpu.memref_slice %arg15[%dma_start3A] : memref<10240xf32, #tpu.memory_space<vmem_shared>> -> memref<10240xf32, #tpu.memory_space<vmem_shared>>
    tpu.enqueue_indirect_dma source(%arg13 : memref<10240xf32, #tpu.memory_space<vmem>>) target(%dma_start3A_7 : memref<10240xf32, #tpu.memory_space<vmem_shared>>) offsets(%arg11 : memref<10240xi32, #tpu.memory_space<vmem>>) semaphore(%arg17 : memref<!tpu.dma_semaphore, #tpu.memory_space<semaphore_mem>>) {add = true}
    %scan3A = arith.constant 0 : i32
    %scan3A_8 = arith.constant 0 : i32
    %scan3A_9 = arith.constant 80 : i32
    %scan3A_10 = arith.addi %scan3A_8, %scan3A_9 : i32
    %scan3A_11 = arith.constant 1 : i32
    scf.for %scan3A_23 = %scan3A_8 to %scan3A_10 step %scan3A_11  : i32 {
      %mul3A_24 = arith.constant 128 : i32
      %mul3A_25 = arith.muli %scan3A_23, %mul3A_24 : i32
      %dma_start3A_26 = tpu.memref_slice %arg10[%mul3A_25] : memref<10240xi32, #tpu.memory_space<vmem>> -> memref<128xi32, #tpu.memory_space<vmem>>
      %dma_start3A_27 = arith.constant 0 : i32
      %dma_start3A_28 = arith.constant 0 : i32
      %dma_start3A_29 = tpu.memref_slice %arg2[%dma_start3A_27, %dma_start3A_28] : memref<10000x128xf32, #tpu.memory_space<hbm>> -> memref<10000x128xf32, #tpu.memory_space<hbm>>
      tpu.enqueue_indirect_dma source(%dma_start3A_29 : memref<10000x128xf32, #tpu.memory_space<hbm>>) target(%arg12 : memref<128x128xf32, #tpu.memory_space<vmem>>) offsets(%dma_start3A_26 : memref<128xi32, #tpu.memory_space<vmem>>) semaphore(%arg16 : memref<!tpu.dma_semaphore, #tpu.memory_space<semaphore_mem>>)
      %dma_wait3A_30 = tpu.memref_slice %arg10[%mul3A_25] : memref<10240xi32, #tpu.memory_space<vmem>> -> memref<128xi32, #tpu.memory_space<vmem>>
      %dma_wait3A_31 = arith.constant 0 : i32
      %dma_wait3A_32 = arith.constant 0 : i32
      %dma_wait3A_33 = tpu.memref_slice %arg2[%dma_wait3A_31, %dma_wait3A_32] : memref<10000x128xf32, #tpu.memory_space<hbm>> -> memref<10000x128xf32, #tpu.memory_space<hbm>>
      tpu.wait_indirect_dma semaphore(%arg16 : memref<!tpu.dma_semaphore, #tpu.memory_space<semaphore_mem>>) src(%dma_wait3A_33 : memref<10000x128xf32, #tpu.memory_space<hbm>>) dst(%arg12 : memref<128x128xf32, #tpu.memory_space<vmem>>)
      %mul3A_34 = arith.constant 128 : i32
      %mul3A_35 = arith.muli %scan3A_23, %mul3A_34 : i32
      "tpu.region"() ({
        %run_scoped3A = tpu.sem_alloc : memref<!tpu.dma_semaphore, #tpu.memory_space<semaphore_mem>>
        %dma_start3A_36 = tpu.memref_slice %arg11[%mul3A_35] : memref<10240xi32, #tpu.memory_space<vmem>> -> memref<128xi32, #tpu.memory_space<vmem>>
        %dma_start3A_37 = arith.constant 0 : i32
        %dma_start3A_38 = arith.constant 0 : i32
        %dma_start3A_39 = tpu.memref_slice %arg14[%dma_start3A_37, %dma_start3A_38] : memref<10240x128xf32, #tpu.memory_space<vmem_shared>> -> memref<10240x128xf32, #tpu.memory_space<vmem_shared>>
        tpu.enqueue_indirect_dma source(%arg12 : memref<128x128xf32, #tpu.memory_space<vmem>>) target(%dma_start3A_39 : memref<10240x128xf32, #tpu.memory_space<vmem_shared>>) offsets(%dma_start3A_36 : memref<128xi32, #tpu.memory_space<vmem>>) semaphore(%run_scoped3A : memref<!tpu.dma_semaphore, #tpu.memory_space<semaphore_mem>>) {add = true}
        %dma_wait3A_40 = tpu.memref_slice %arg11[%mul3A_35] : memref<10240xi32, #tpu.memory_space<vmem>> -> memref<128xi32, #tpu.memory_space<vmem>>
        %dma_wait3A_41 = arith.constant 0 : i32
        %dma_wait3A_42 = arith.constant 0 : i32
        %dma_wait3A_43 = tpu.memref_slice %arg14[%dma_wait3A_41, %dma_wait3A_42] : memref<10240x128xf32, #tpu.memory_space<vmem_shared>> -> memref<10240x128xf32, #tpu.memory_space<vmem_shared>>
        tpu.wait_indirect_dma semaphore(%run_scoped3A : memref<!tpu.dma_semaphore, #tpu.memory_space<semaphore_mem>>) src(%arg12 : memref<128x128xf32, #tpu.memory_space<vmem>>) dst(%dma_wait3A_43 : memref<10240x128xf32, #tpu.memory_space<vmem_shared>>)
        tpu.yield
      }) : () -> ()
    }
    %scan3A_12 = arith.constant 80 : i32
    %dma_wait3A = arith.constant 0 : i32
    %dma_wait3A_13 = tpu.memref_slice %arg15[%dma_wait3A] : memref<10240xf32, #tpu.memory_space<vmem_shared>> -> memref<10240xf32, #tpu.memory_space<vmem_shared>>
    tpu.wait_indirect_dma semaphore(%arg17 : memref<!tpu.dma_semaphore, #tpu.memory_space<semaphore_mem>>) src(%arg13 : memref<10240xf32, #tpu.memory_space<vmem>>) dst(%dma_wait3A_13 : memref<10240xf32, #tpu.memory_space<vmem_shared>>)
    %barrier3A_14 = arith.constant 0 : index
    tpu.barrier barrier_id(%barrier3A_14)
    %mul3A_15 = arith.constant 640 : i32
    %mul3A_16 = arith.muli %arg1, %mul3A_15 : i32
    %mul3A_17 = arith.constant 640 : i32
    %mul3A_18 = arith.muli %arg1, %mul3A_17 : i32
    "tpu.region"() ({
      %run_scoped3A = tpu.sem_alloc : memref<!tpu.dma_semaphore, #tpu.memory_space<semaphore_mem>>
      %dma_start3A_23 = arith.constant 0 : i32
      %dma_start3A_24 = tpu.memref_slice %arg8[%arg0, %mul3A_18, %dma_start3A_23] : memref<2x10240x128xf32, #tpu.memory_space<hbm>> -> memref<1x640x128xf32, #tpu.memory_space<hbm>>
      %dma_start3A_25 = tpu.memref_squeeze %dma_start3A_24 : memref<1x640x128xf32, #tpu.memory_space<hbm>> -> memref<640x128xf32, #tpu.memory_space<hbm>>
      %dma_start3A_26 = arith.constant 0 : i32
      %dma_start3A_27 = tpu.memref_slice %arg14[%mul3A_16, %dma_start3A_26] : memref<10240x128xf32, #tpu.memory_space<vmem_shared>> -> memref<640x128xf32, #tpu.memory_space<vmem_shared>>
      tpu.enqueue_dma source(%dma_start3A_27 : memref<640x128xf32, #tpu.memory_space<vmem_shared>>) target(%dma_start3A_25 : memref<640x128xf32, #tpu.memory_space<hbm>>) target_semaphore(%run_scoped3A : memref<!tpu.dma_semaphore, #tpu.memory_space<semaphore_mem>>)
      %dma_wait3A_28 = arith.constant 0 : i32
      %dma_wait3A_29 = tpu.memref_slice %arg8[%arg0, %mul3A_18, %dma_wait3A_28] : memref<2x10240x128xf32, #tpu.memory_space<hbm>> -> memref<1x640x128xf32, #tpu.memory_space<hbm>>
      %dma_wait3A_30 = tpu.memref_squeeze %dma_wait3A_29 : memref<1x640x128xf32, #tpu.memory_space<hbm>> -> memref<640x128xf32, #tpu.memory_space<hbm>>
      %dma_wait3A_31 = arith.constant 0 : i32
      %dma_wait3A_32 = tpu.memref_slice %arg14[%mul3A_16, %dma_wait3A_31] : memref<10240x128xf32, #tpu.memory_space<vmem_shared>> -> memref<640x128xf32, #tpu.memory_space<vmem_shared>>
      tpu.wait_dma2 semaphore(%run_scoped3A : memref<!tpu.dma_semaphore, #tpu.memory_space<semaphore_mem>>) src(%dma_wait3A_32 : memref<640x128xf32, #tpu.memory_space<vmem_shared>>) dst(%dma_wait3A_30 : memref<640x128xf32, #tpu.memory_space<hbm>>)
      tpu.yield
    }) : () -> ()
    %mul3A_19 = arith.constant 640 : i32
    %mul3A_20 = arith.muli %arg1, %mul3A_19 : i32
    %mul3A_21 = arith.constant 640 : i32
    %mul3A_22 = arith.muli %arg1, %mul3A_21 : i32
    "tpu.region"() ({
      %run_scoped3A = tpu.sem_alloc : memref<!tpu.dma_semaphore, #tpu.memory_space<semaphore_mem>>
      %dma_start3A_23 = tpu.memref_slice %arg9[%arg0, %mul3A_22] : memref<2x10240xf32, #tpu.memory_space<hbm>> -> memref<1x640xf32, #tpu.memory_space<hbm>>
      %dma_start3A_24 = tpu.memref_squeeze %dma_start3A_23 : memref<1x640xf32, #tpu.memory_space<hbm>> -> memref<640xf32, #tpu.memory_space<hbm>>
      %dma_start3A_25 = tpu.memref_slice %arg15[%mul3A_20] : memref<10240xf32, #tpu.memory_space<vmem_shared>> -> memref<640xf32, #tpu.memory_space<vmem_shared>>
      tpu.enqueue_dma source(%dma_start3A_25 : memref<640xf32, #tpu.memory_space<vmem_shared>>) target(%dma_start3A_24 : memref<640xf32, #tpu.memory_space<hbm>>) target_semaphore(%run_scoped3A : memref<!tpu.dma_semaphore, #tpu.memory_space<semaphore_mem>>)
      %dma_wait3A_26 = tpu.memref_slice %arg9[%arg0, %mul3A_22] : memref<2x10240xf32, #tpu.memory_space<hbm>> -> memref<1x640xf32, #tpu.memory_space<hbm>>
      %dma_wait3A_27 = tpu.memref_squeeze %dma_wait3A_26 : memref<1x640xf32, #tpu.memory_space<hbm>> -> memref<640xf32, #tpu.memory_space<hbm>>
      %dma_wait3A_28 = tpu.memref_slice %arg15[%mul3A_20] : memref<10240xf32, #tpu.memory_space<vmem_shared>> -> memref<640xf32, #tpu.memory_space<vmem_shared>>
      tpu.wait_dma2 semaphore(%run_scoped3A : memref<!tpu.dma_semaphore, #tpu.memory_space<semaphore_mem>>) src(%dma_wait3A_28 : memref<640xf32, #tpu.memory_space<vmem_shared>>) dst(%dma_wait3A_27 : memref<640xf32, #tpu.memory_space<hbm>>)
      tpu.yield
    }) : () -> ()
    return
  }
}

#map = affine_map<(d0, d1) -> (0, 0)>
#map1 = affine_map<(d0, d1) -> (0)>
#map2 = affine_map<(d0, d1) -> (0, 0, 0)>
module attributes {stable_mosaic.version = 14 : i64} {
  func.func @agg(%arg0: i32, %arg1: i32, %arg2: memref<10000x128xf32, #tpu.memory_space<hbm>>, %arg3: memref<32x10240xi32, #tpu.memory_space<hbm>>, %arg4: memref<32x10240xi32, #tpu.memory_space<hbm>>, %arg5: memref<640x128xf32, #tpu.memory_space<hbm>>, %arg6: memref<10240xf32, #tpu.memory_space<hbm>>, %arg7: memref<10240xf32, #tpu.memory_space<hbm>>, %arg8: memref<2x10240x128xf32, #tpu.memory_space<hbm>>, %arg9: memref<2x10240xf32, #tpu.memory_space<hbm>>, %arg10: memref<10240xi32, #tpu.memory_space<vmem>>, %arg11: memref<10240xi32, #tpu.memory_space<vmem>>, %arg12: memref<128x128xf32, #tpu.memory_space<vmem>>, %arg13: memref<10240xf32, #tpu.memory_space<vmem>>, %arg14: memref<10240x128xf32, #tpu.memory_space<vmem_shared>>, %arg15: memref<10240xf32, #tpu.memory_space<vmem_shared>>, %arg16: memref<!tpu.dma_semaphore, #tpu.memory_space<semaphore_mem>>, %arg17: memref<!tpu.dma_semaphore, #tpu.memory_space<semaphore_mem>>) attributes {dimension_semantics = [#tpu.dimension_semantics<core_parallel>, #tpu.dimension_semantics<subcore_parallel>], iteration_bounds = array<i64: 2, 16>, scalar_prefetch = 0 : i64, scratch_operands = 8 : i64, tpu.core_type = #tpu.core_type<sc_vector_subcore>, window_params = [{transform_indices = #map}, {transform_indices = #map}, {transform_indices = #map}, {transform_indices = #map}, {transform_indices = #map1}, {transform_indices = #map1}, {transform_indices = #map2}, {transform_indices = #map}]} {
    %mul3A = arith.constant 2 : i32
    %mul3A_0 = arith.muli %arg1, %mul3A : i32
    %add3A = arith.addi %mul3A_0, %arg0 : i32
    %mul3A_1 = arith.constant 640 : i32
    %mul3A_2 = arith.muli %arg1, %mul3A_1 : i32
    "tpu.region"() ({
      %run_scoped3A = tpu.sem_alloc : memref<!tpu.dma_semaphore, #tpu.memory_space<semaphore_mem>>
      %dma_start3A_23 = arith.constant 0 : i32
      %dma_start3A_24 = tpu.memref_slice %arg14[%mul3A_2, %dma_start3A_23] : memref<10240x128xf32, #tpu.memory_space<vmem_shared>> -> memref<640x128xf32, #tpu.memory_space<vmem_shared>>
      tpu.enqueue_dma source(%arg5 : memref<640x128xf32, #tpu.memory_space<hbm>>) target(%dma_start3A_24 : memref<640x128xf32, #tpu.memory_space<vmem_shared>>) target_semaphore(%run_scoped3A : memref<!tpu.dma_semaphore, #tpu.memory_space<semaphore_mem>>)
      %dma_wait3A_25 = arith.constant 0 : i32
      %dma_wait3A_26 = tpu.memref_slice %arg14[%mul3A_2, %dma_wait3A_25] : memref<10240x128xf32, #tpu.memory_space<vmem_shared>> -> memref<640x128xf32, #tpu.memory_space<vmem_shared>>
      tpu.wait_dma2 semaphore(%run_scoped3A : memref<!tpu.dma_semaphore, #tpu.memory_space<semaphore_mem>>) src(%arg5 : memref<640x128xf32, #tpu.memory_space<hbm>>) dst(%dma_wait3A_26 : memref<640x128xf32, #tpu.memory_space<vmem_shared>>)
      tpu.yield
    }) : () -> ()
    %mul3A_3 = arith.constant 640 : i32
    %mul3A_4 = arith.muli %arg1, %mul3A_3 : i32
    %mul3A_5 = arith.constant 640 : i32
    %mul3A_6 = arith.muli %arg1, %mul3A_5 : i32
    "tpu.region"() ({
      %run_scoped3A = tpu.sem_alloc : memref<!tpu.dma_semaphore, #tpu.memory_space<semaphore_mem>>
      %dma_start3A_23 = tpu.memref_slice %arg15[%mul3A_6] : memref<10240xf32, #tpu.memory_space<vmem_shared>> -> memref<640xf32, #tpu.memory_space<vmem_shared>>
      %dma_start3A_24 = tpu.memref_slice %arg6[%mul3A_4] : memref<10240xf32, #tpu.memory_space<hbm>> -> memref<640xf32, #tpu.memory_space<hbm>>
      tpu.enqueue_dma source(%dma_start3A_24 : memref<640xf32, #tpu.memory_space<hbm>>) target(%dma_start3A_23 : memref<640xf32, #tpu.memory_space<vmem_shared>>) target_semaphore(%run_scoped3A : memref<!tpu.dma_semaphore, #tpu.memory_space<semaphore_mem>>)
      %dma_wait3A_25 = tpu.memref_slice %arg15[%mul3A_6] : memref<10240xf32, #tpu.memory_space<vmem_shared>> -> memref<640xf32, #tpu.memory_space<vmem_shared>>
      %dma_wait3A_26 = tpu.memref_slice %arg6[%mul3A_4] : memref<10240xf32, #tpu.memory_space<hbm>> -> memref<640xf32, #tpu.memory_space<hbm>>
      tpu.wait_dma2 semaphore(%run_scoped3A : memref<!tpu.dma_semaphore, #tpu.memory_space<semaphore_mem>>) src(%dma_wait3A_26 : memref<640xf32, #tpu.memory_space<hbm>>) dst(%dma_wait3A_25 : memref<640xf32, #tpu.memory_space<vmem_shared>>)
      tpu.yield
    }) : () -> ()
    "tpu.region"() ({
      %run_scoped3A = tpu.sem_alloc : memref<!tpu.dma_semaphore, #tpu.memory_space<semaphore_mem>>
      %dma_start3A_23 = arith.constant 0 : i32
      %dma_start3A_24 = tpu.memref_slice %arg3[%add3A, %dma_start3A_23] : memref<32x10240xi32, #tpu.memory_space<hbm>> -> memref<1x10240xi32, #tpu.memory_space<hbm>>
      %dma_start3A_25 = tpu.memref_squeeze %dma_start3A_24 : memref<1x10240xi32, #tpu.memory_space<hbm>> -> memref<10240xi32, #tpu.memory_space<hbm>>
      %dma_start3A_26 = arith.constant 0 : i32
      %dma_start3A_27 = tpu.memref_slice %arg3[%add3A, %dma_start3A_26] : memref<32x10240xi32, #tpu.memory_space<hbm>> -> memref<1x10240xi32, #tpu.memory_space<hbm>>
      %dma_start3A_28 = tpu.memref_squeeze %dma_start3A_27 : memref<1x10240xi32, #tpu.memory_space<hbm>> -> memref<10240xi32, #tpu.memory_space<hbm>>
      tpu.enqueue_dma source(%dma_start3A_28 : memref<10240xi32, #tpu.memory_space<hbm>>) target(%arg10 : memref<10240xi32, #tpu.memory_space<vmem>>) target_semaphore(%run_scoped3A : memref<!tpu.dma_semaphore, #tpu.memory_space<semaphore_mem>>)
      %dma_wait3A_29 = arith.constant 0 : i32
      %dma_wait3A_30 = tpu.memref_slice %arg3[%add3A, %dma_wait3A_29] : memref<32x10240xi32, #tpu.memory_space<hbm>> -> memref<1x10240xi32, #tpu.memory_space<hbm>>
      %dma_wait3A_31 = tpu.memref_squeeze %dma_wait3A_30 : memref<1x10240xi32, #tpu.memory_space<hbm>> -> memref<10240xi32, #tpu.memory_space<hbm>>
      %dma_wait3A_32 = arith.constant 0 : i32
      %dma_wait3A_33 = tpu.memref_slice %arg3[%add3A, %dma_wait3A_32] : memref<32x10240xi32, #tpu.memory_space<hbm>> -> memref<1x10240xi32, #tpu.memory_space<hbm>>
      %dma_wait3A_34 = tpu.memref_squeeze %dma_wait3A_33 : memref<1x10240xi32, #tpu.memory_space<hbm>> -> memref<10240xi32, #tpu.memory_space<hbm>>
      tpu.wait_dma2 semaphore(%run_scoped3A : memref<!tpu.dma_semaphore, #tpu.memory_space<semaphore_mem>>) src(%dma_wait3A_34 : memref<10240xi32, #tpu.memory_space<hbm>>) dst(%arg10 : memref<10240xi32, #tpu.memory_space<vmem>>)
      tpu.yield
    }) : () -> ()
    "tpu.region"() ({
      %run_scoped3A = tpu.sem_alloc : memref<!tpu.dma_semaphore, #tpu.memory_space<semaphore_mem>>
      %dma_start3A_23 = arith.constant 0 : i32
      %dma_start3A_24 = tpu.memref_slice %arg4[%add3A, %dma_start3A_23] : memref<32x10240xi32, #tpu.memory_space<hbm>> -> memref<1x10240xi32, #tpu.memory_space<hbm>>
      %dma_start3A_25 = tpu.memref_squeeze %dma_start3A_24 : memref<1x10240xi32, #tpu.memory_space<hbm>> -> memref<10240xi32, #tpu.memory_space<hbm>>
      %dma_start3A_26 = arith.constant 0 : i32
      %dma_start3A_27 = tpu.memref_slice %arg4[%add3A, %dma_start3A_26] : memref<32x10240xi32, #tpu.memory_space<hbm>> -> memref<1x10240xi32, #tpu.memory_space<hbm>>
      %dma_start3A_28 = tpu.memref_squeeze %dma_start3A_27 : memref<1x10240xi32, #tpu.memory_space<hbm>> -> memref<10240xi32, #tpu.memory_space<hbm>>
      tpu.enqueue_dma source(%dma_start3A_28 : memref<10240xi32, #tpu.memory_space<hbm>>) target(%arg11 : memref<10240xi32, #tpu.memory_space<vmem>>) target_semaphore(%run_scoped3A : memref<!tpu.dma_semaphore, #tpu.memory_space<semaphore_mem>>)
      %dma_wait3A_29 = arith.constant 0 : i32
      %dma_wait3A_30 = tpu.memref_slice %arg4[%add3A, %dma_wait3A_29] : memref<32x10240xi32, #tpu.memory_space<hbm>> -> memref<1x10240xi32, #tpu.memory_space<hbm>>
      %dma_wait3A_31 = tpu.memref_squeeze %dma_wait3A_30 : memref<1x10240xi32, #tpu.memory_space<hbm>> -> memref<10240xi32, #tpu.memory_space<hbm>>
      %dma_wait3A_32 = arith.constant 0 : i32
      %dma_wait3A_33 = tpu.memref_slice %arg4[%add3A, %dma_wait3A_32] : memref<32x10240xi32, #tpu.memory_space<hbm>> -> memref<1x10240xi32, #tpu.memory_space<hbm>>
      %dma_wait3A_34 = tpu.memref_squeeze %dma_wait3A_33 : memref<1x10240xi32, #tpu.memory_space<hbm>> -> memref<10240xi32, #tpu.memory_space<hbm>>
      tpu.wait_dma2 semaphore(%run_scoped3A : memref<!tpu.dma_semaphore, #tpu.memory_space<semaphore_mem>>) src(%dma_wait3A_34 : memref<10240xi32, #tpu.memory_space<hbm>>) dst(%arg11 : memref<10240xi32, #tpu.memory_space<vmem>>)
      tpu.yield
    }) : () -> ()
    "tpu.region"() ({
      %run_scoped3A = tpu.sem_alloc : memref<!tpu.dma_semaphore, #tpu.memory_space<semaphore_mem>>
      tpu.enqueue_dma source(%arg7 : memref<10240xf32, #tpu.memory_space<hbm>>) target(%arg13 : memref<10240xf32, #tpu.memory_space<vmem>>) target_semaphore(%run_scoped3A : memref<!tpu.dma_semaphore, #tpu.memory_space<semaphore_mem>>)
      tpu.wait_dma2 semaphore(%run_scoped3A : memref<!tpu.dma_semaphore, #tpu.memory_space<semaphore_mem>>) src(%arg7 : memref<10240xf32, #tpu.memory_space<hbm>>) dst(%arg13 : memref<10240xf32, #tpu.memory_space<vmem>>)
      tpu.yield
    }) : () -> ()
    %barrier3A = arith.constant 0 : index
    tpu.barrier barrier_id(%barrier3A)
    %dma_start3A = arith.constant 0 : i32
    %dma_start3A_7 = tpu.memref_slice %arg15[%dma_start3A] : memref<10240xf32, #tpu.memory_space<vmem_shared>> -> memref<10240xf32, #tpu.memory_space<vmem_shared>>
    tpu.enqueue_indirect_dma source(%arg13 : memref<10240xf32, #tpu.memory_space<vmem>>) target(%dma_start3A_7 : memref<10240xf32, #tpu.memory_space<vmem_shared>>) offsets(%arg11 : memref<10240xi32, #tpu.memory_space<vmem>>) semaphore(%arg17 : memref<!tpu.dma_semaphore, #tpu.memory_space<semaphore_mem>>) {add = true}
    %scan3A = arith.constant 0 : i32
    %scan3A_8 = arith.constant 0 : i32
    %scan3A_9 = arith.constant 80 : i32
    %scan3A_10 = arith.addi %scan3A_8, %scan3A_9 : i32
    %scan3A_11 = arith.constant 1 : i32
    scf.for %scan3A_23 = %scan3A_8 to %scan3A_10 step %scan3A_11  : i32 {
      %mul3A_24 = arith.constant 128 : i32
      %mul3A_25 = arith.muli %scan3A_23, %mul3A_24 : i32
      %dma_start3A_26 = tpu.memref_slice %arg10[%mul3A_25] : memref<10240xi32, #tpu.memory_space<vmem>> -> memref<128xi32, #tpu.memory_space<vmem>>
      %dma_start3A_27 = arith.constant 0 : i32
      %dma_start3A_28 = arith.constant 0 : i32
      %dma_start3A_29 = tpu.memref_slice %arg2[%dma_start3A_27, %dma_start3A_28] : memref<10000x128xf32, #tpu.memory_space<hbm>> -> memref<10000x128xf32, #tpu.memory_space<hbm>>
      tpu.enqueue_indirect_dma source(%dma_start3A_29 : memref<10000x128xf32, #tpu.memory_space<hbm>>) target(%arg12 : memref<128x128xf32, #tpu.memory_space<vmem>>) offsets(%dma_start3A_26 : memref<128xi32, #tpu.memory_space<vmem>>) semaphore(%arg16 : memref<!tpu.dma_semaphore, #tpu.memory_space<semaphore_mem>>)
      %dma_wait3A_30 = tpu.memref_slice %arg10[%mul3A_25] : memref<10240xi32, #tpu.memory_space<vmem>> -> memref<128xi32, #tpu.memory_space<vmem>>
      %dma_wait3A_31 = arith.constant 0 : i32
      %dma_wait3A_32 = arith.constant 0 : i32
      %dma_wait3A_33 = tpu.memref_slice %arg2[%dma_wait3A_31, %dma_wait3A_32] : memref<10000x128xf32, #tpu.memory_space<hbm>> -> memref<10000x128xf32, #tpu.memory_space<hbm>>
      tpu.wait_indirect_dma semaphore(%arg16 : memref<!tpu.dma_semaphore, #tpu.memory_space<semaphore_mem>>) src(%dma_wait3A_33 : memref<10000x128xf32, #tpu.memory_space<hbm>>) dst(%arg12 : memref<128x128xf32, #tpu.memory_space<vmem>>)
      %mul3A_34 = arith.constant 128 : i32
      %mul3A_35 = arith.muli %scan3A_23, %mul3A_34 : i32
      "tpu.region"() ({
        %run_scoped3A = tpu.sem_alloc : memref<!tpu.dma_semaphore, #tpu.memory_space<semaphore_mem>>
        %dma_start3A_36 = tpu.memref_slice %arg11[%mul3A_35] : memref<10240xi32, #tpu.memory_space<vmem>> -> memref<128xi32, #tpu.memory_space<vmem>>
        %dma_start3A_37 = arith.constant 0 : i32
        %dma_start3A_38 = arith.constant 0 : i32
        %dma_start3A_39 = tpu.memref_slice %arg14[%dma_start3A_37, %dma_start3A_38] : memref<10240x128xf32, #tpu.memory_space<vmem_shared>> -> memref<10240x128xf32, #tpu.memory_space<vmem_shared>>
        tpu.enqueue_indirect_dma source(%arg12 : memref<128x128xf32, #tpu.memory_space<vmem>>) target(%dma_start3A_39 : memref<10240x128xf32, #tpu.memory_space<vmem_shared>>) offsets(%dma_start3A_36 : memref<128xi32, #tpu.memory_space<vmem>>) semaphore(%run_scoped3A : memref<!tpu.dma_semaphore, #tpu.memory_space<semaphore_mem>>) {add = true}
        %dma_wait3A_40 = tpu.memref_slice %arg11[%mul3A_35] : memref<10240xi32, #tpu.memory_space<vmem>> -> memref<128xi32, #tpu.memory_space<vmem>>
        %dma_wait3A_41 = arith.constant 0 : i32
        %dma_wait3A_42 = arith.constant 0 : i32
        %dma_wait3A_43 = tpu.memref_slice %arg14[%dma_wait3A_41, %dma_wait3A_42] : memref<10240x128xf32, #tpu.memory_space<vmem_shared>> -> memref<10240x128xf32, #tpu.memory_space<vmem_shared>>
        tpu.wait_indirect_dma semaphore(%run_scoped3A : memref<!tpu.dma_semaphore, #tpu.memory_space<semaphore_mem>>) src(%arg12 : memref<128x128xf32, #tpu.memory_space<vmem>>) dst(%dma_wait3A_43 : memref<10240x128xf32, #tpu.memory_space<vmem_shared>>)
        tpu.yield
      }) : () -> ()
    }
    %scan3A_12 = arith.constant 80 : i32
    %dma_wait3A = arith.constant 0 : i32
    %dma_wait3A_13 = tpu.memref_slice %arg15[%dma_wait3A] : memref<10240xf32, #tpu.memory_space<vmem_shared>> -> memref<10240xf32, #tpu.memory_space<vmem_shared>>
    tpu.wait_indirect_dma semaphore(%arg17 : memref<!tpu.dma_semaphore, #tpu.memory_space<semaphore_mem>>) src(%arg13 : memref<10240xf32, #tpu.memory_space<vmem>>) dst(%dma_wait3A_13 : memref<10240xf32, #tpu.memory_space<vmem_shared>>)
    %barrier3A_14 = arith.constant 0 : index
    tpu.barrier barrier_id(%barrier3A_14)
    %mul3A_15 = arith.constant 640 : i32
    %mul3A_16 = arith.muli %arg1, %mul3A_15 : i32
    %mul3A_17 = arith.constant 640 : i32
    %mul3A_18 = arith.muli %arg1, %mul3A_17 : i32
    "tpu.region"() ({
      %run_scoped3A = tpu.sem_alloc : memref<!tpu.dma_semaphore, #tpu.memory_space<semaphore_mem>>
      %dma_start3A_23 = arith.constant 0 : i32
      %dma_start3A_24 = tpu.memref_slice %arg8[%arg0, %mul3A_18, %dma_start3A_23] : memref<2x10240x128xf32, #tpu.memory_space<hbm>> -> memref<1x640x128xf32, #tpu.memory_space<hbm>>
      %dma_start3A_25 = tpu.memref_squeeze %dma_start3A_24 : memref<1x640x128xf32, #tpu.memory_space<hbm>> -> memref<640x128xf32, #tpu.memory_space<hbm>>
      %dma_start3A_26 = arith.constant 0 : i32
      %dma_start3A_27 = tpu.memref_slice %arg14[%mul3A_16, %dma_start3A_26] : memref<10240x128xf32, #tpu.memory_space<vmem_shared>> -> memref<640x128xf32, #tpu.memory_space<vmem_shared>>
      tpu.enqueue_dma source(%dma_start3A_27 : memref<640x128xf32, #tpu.memory_space<vmem_shared>>) target(%dma_start3A_25 : memref<640x128xf32, #tpu.memory_space<hbm>>) target_semaphore(%run_scoped3A : memref<!tpu.dma_semaphore, #tpu.memory_space<semaphore_mem>>)
      %dma_wait3A_28 = arith.constant 0 : i32
      %dma_wait3A_29 = tpu.memref_slice %arg8[%arg0, %mul3A_18, %dma_wait3A_28] : memref<2x10240x128xf32, #tpu.memory_space<hbm>> -> memref<1x640x128xf32, #tpu.memory_space<hbm>>
      %dma_wait3A_30 = tpu.memref_squeeze %dma_wait3A_29 : memref<1x640x128xf32, #tpu.memory_space<hbm>> -> memref<640x128xf32, #tpu.memory_space<hbm>>
      %dma_wait3A_31 = arith.constant 0 : i32
      %dma_wait3A_32 = tpu.memref_slice %arg14[%mul3A_16, %dma_wait3A_31] : memref<10240x128xf32, #tpu.memory_space<vmem_shared>> -> memref<640x128xf32, #tpu.memory_space<vmem_shared>>
      tpu.wait_dma2 semaphore(%run_scoped3A : memref<!tpu.dma_semaphore, #tpu.memory_space<semaphore_mem>>) src(%dma_wait3A_32 : memref<640x128xf32, #tpu.memory_space<vmem_shared>>) dst(%dma_wait3A_30 : memref<640x128xf32, #tpu.memory_space<hbm>>)
      tpu.yield
    }) : () -> ()
    %mul3A_19 = arith.constant 640 : i32
    %mul3A_20 = arith.muli %arg1, %mul3A_19 : i32
    %mul3A_21 = arith.constant 640 : i32
    %mul3A_22 = arith.muli %arg1, %mul3A_21 : i32
    "tpu.region"() ({
      %run_scoped3A = tpu.sem_alloc : memref<!tpu.dma_semaphore, #tpu.memory_space<semaphore_mem>>
      %dma_start3A_23 = tpu.memref_slice %arg9[%arg0, %mul3A_22] : memref<2x10240xf32, #tpu.memory_space<hbm>> -> memref<1x640xf32, #tpu.memory_space<hbm>>
      %dma_start3A_24 = tpu.memref_squeeze %dma_start3A_23 : memref<1x640xf32, #tpu.memory_space<hbm>> -> memref<640xf32, #tpu.memory_space<hbm>>
      %dma_start3A_25 = tpu.memref_slice %arg15[%mul3A_20] : memref<10240xf32, #tpu.memory_space<vmem_shared>> -> memref<640xf32, #tpu.memory_space<vmem_shared>>
      tpu.enqueue_dma source(%dma_start3A_25 : memref<640xf32, #tpu.memory_space<vmem_shared>>) target(%dma_start3A_24 : memref<640xf32, #tpu.memory_space<hbm>>) target_semaphore(%run_scoped3A : memref<!tpu.dma_semaphore, #tpu.memory_space<semaphore_mem>>)
      %dma_wait3A_26 = tpu.memref_slice %arg9[%arg0, %mul3A_22] : memref<2x10240xf32, #tpu.memory_space<hbm>> -> memref<1x640xf32, #tpu.memory_space<hbm>>
      %dma_wait3A_27 = tpu.memref_squeeze %dma_wait3A_26 : memref<1x640xf32, #tpu.memory_space<hbm>> -> memref<640xf32, #tpu.memory_space<hbm>>
      %dma_wait3A_28 = tpu.memref_slice %arg15[%mul3A_20] : memref<10240xf32, #tpu.memory_space<vmem_shared>> -> memref<640xf32, #tpu.memory_space<vmem_shared>>
      tpu.wait_dma2 semaphore(%run_scoped3A : memref<!tpu.dma_semaphore, #tpu.memory_space<semaphore_mem>>) src(%dma_wait3A_28 : memref<640xf32, #tpu.memory_space<vmem_shared>>) dst(%dma_wait3A_27 : memref<640xf32, #tpu.memory_space<hbm>>)
      tpu.yield
    }) : () -> ()
    return
  }
}

module attributes {stable_mosaic.version = 14 : i64} {
  func.func @_dense_body(%arg0: i32, %arg1: memref<2x400x128xf32, #tpu.memory_space<vmem>>, %arg2: memref<2x400x1xf32, #tpu.memory_space<vmem>>, %arg3: memref<400x128xf32, #tpu.memory_space<vmem>>, %arg4: memref<128x128xf32, #tpu.memory_space<vmem>>, %arg5: memref<128x128xf32, #tpu.memory_space<vmem>>, %arg6: memref<1x128xf32, #tpu.memory_space<vmem>>, %arg7: memref<400x128xf32, #tpu.memory_space<vmem>>) attributes {dimension_semantics = [#tpu.dimension_semantics<arbitrary>], iteration_bounds = array<i64: 25>, scalar_prefetch = 0 : i64, scratch_operands = 0 : i64, tpu.core_type = #tpu.core_type<tc>, window_params = [{transform_indices = @transform_0, window_bounds = array<i64: 2, 400, 128>}, {transform_indices = @transform_1, window_bounds = array<i64: 2, 400, 1>}, {transform_indices = @transform_2, window_bounds = array<i64: 400, 128>}, {pipeline_mode = #tpu.pipeline_mode<synchronous>, transform_indices = @transform_3, window_bounds = array<i64: 128, 128>}, {pipeline_mode = #tpu.pipeline_mode<synchronous>, transform_indices = @transform_4, window_bounds = array<i64: 128, 128>}, {pipeline_mode = #tpu.pipeline_mode<synchronous>, transform_indices = @transform_5, window_bounds = array<i64: 1, 128>}, {transform_indices = @transform_6, window_bounds = array<i64: 400, 128>}]} {
    %get3A = arith.constant 0 : index
    %get3A_0 = arith.constant 0 : index
    %get3A_1 = arith.constant 0 : index
    %get3A_2 = vector.load %arg1[%get3A, %get3A_0, %get3A_1] : memref<2x400x128xf32, #tpu.memory_space<vmem>>, vector<1x400x128xf32>
    %get3A_3 = vector.shape_cast %get3A_2 : vector<1x400x128xf32> to vector<400x128xf32>
    %get3A_4 = arith.constant 1 : index
    %get3A_5 = arith.constant 0 : index
    %get3A_6 = arith.constant 0 : index
    %get3A_7 = vector.load %arg1[%get3A_4, %get3A_5, %get3A_6] : memref<2x400x128xf32, #tpu.memory_space<vmem>>, vector<1x400x128xf32>
    %get3A_8 = vector.shape_cast %get3A_7 : vector<1x400x128xf32> to vector<400x128xf32>
    %add3A = arith.addf %get3A_3, %get3A_8 : vector<400x128xf32>
    %get3A_9 = arith.constant 0 : index
    %get3A_10 = arith.constant 0 : index
    %get3A_11 = arith.constant 0 : index
    %get3A_12 = vector.load %arg2[%get3A_9, %get3A_10, %get3A_11] : memref<2x400x1xf32, #tpu.memory_space<vmem>>, vector<1x400x1xf32>
    %get3A_13 = vector.shape_cast %get3A_12 : vector<1x400x1xf32> to vector<400x1xf32>
    %get3A_14 = arith.constant 1 : index
    %get3A_15 = arith.constant 0 : index
    %get3A_16 = arith.constant 0 : index
    %get3A_17 = vector.load %arg2[%get3A_14, %get3A_15, %get3A_16] : memref<2x400x1xf32, #tpu.memory_space<vmem>>, vector<1x400x1xf32>
    %get3A_18 = vector.shape_cast %get3A_17 : vector<1x400x1xf32> to vector<400x1xf32>
    %add3A_19 = arith.addf %get3A_13, %get3A_18 : vector<400x1xf32>
    %max3A = arith.constant 1.000000e+00 : f32
    %max3A_20 = vector.broadcast %max3A : f32 to vector<400x1xf32>
    %max3A_21 = arith.maximumf %add3A_19, %max3A_20 : vector<400x1xf32>
    %div3A = arith.constant 1.000000e+00 : f32
    %div3A_22 = vector.broadcast %div3A : f32 to vector<400x1xf32>
    %div3A_23 = arith.divf %div3A_22, %max3A_21 : vector<400x1xf32>
    %mul3A = vector.broadcast %div3A_23 : vector<400x1xf32> to vector<400x128xf32>
    %mul3A_24 = arith.mulf %add3A, %mul3A : vector<400x128xf32>
    %get3A_25 = arith.constant 0 : index
    %get3A_26 = arith.constant 0 : index
    %get3A_27 = vector.load %arg4[%get3A_25, %get3A_26] : memref<128x128xf32, #tpu.memory_space<vmem>>, vector<128x128xf32>
    %dot_general3A = arith.constant dense<0.000000e+00> : vector<400x128xf32>
    %dot_general3A_28 = tpu.matmul %mul3A_24, %get3A_27, %dot_general3A {dimension_numbers = #tpu.dot_dimension_numbers<[1], [0], [0], [1], [0, 0, 1, 1], [], []>, precision = #tpu.contract_precision<fp32>, transpose_lhs_hint = false} : vector<400x128xf32>, vector<128x128xf32>, vector<400x128xf32> -> vector<400x128xf32>
    %get3A_29 = arith.constant 0 : index
    %get3A_30 = arith.constant 0 : index
    %get3A_31 = vector.load %arg3[%get3A_29, %get3A_30] : memref<400x128xf32, #tpu.memory_space<vmem>>, vector<400x128xf32>
    %get3A_32 = arith.constant 0 : index
    %get3A_33 = arith.constant 0 : index
    %get3A_34 = vector.load %arg5[%get3A_32, %get3A_33] : memref<128x128xf32, #tpu.memory_space<vmem>>, vector<128x128xf32>
    %dot_general3A_35 = arith.constant dense<0.000000e+00> : vector<400x128xf32>
    %dot_general3A_36 = tpu.matmul %get3A_31, %get3A_34, %dot_general3A_35 {dimension_numbers = #tpu.dot_dimension_numbers<[1], [0], [0], [1], [0, 0, 1, 1], [], []>, precision = #tpu.contract_precision<fp32>, transpose_lhs_hint = false} : vector<400x128xf32>, vector<128x128xf32>, vector<400x128xf32> -> vector<400x128xf32>
    %add3A_37 = arith.addf %dot_general3A_28, %dot_general3A_36 : vector<400x128xf32>
    %get3A_38 = arith.constant 0 : index
    %get3A_39 = arith.constant 0 : index
    %get3A_40 = vector.load %arg6[%get3A_38, %get3A_39] : memref<1x128xf32, #tpu.memory_space<vmem>>, vector<1x128xf32>
    %add3A_41 = vector.broadcast %get3A_40 : vector<1x128xf32> to vector<400x128xf32>
    %add3A_42 = arith.addf %add3A_37, %add3A_41 : vector<400x128xf32>
    %max3A_43 = arith.constant 0.000000e+00 : f32
    %max3A_44 = vector.broadcast %max3A_43 : f32 to vector<400x128xf32>
    %max3A_45 = arith.maximumf %add3A_42, %max3A_44 : vector<400x128xf32>
    %swap3A = arith.constant 0 : index
    %swap3A_46 = arith.constant 0 : index
    %swap3A_47 = vector.load %arg7[%swap3A, %swap3A_46] : memref<400x128xf32, #tpu.memory_space<vmem>>, vector<400x128xf32>
    tpu.vector_store %arg7[%swap3A, %swap3A_46], %max3A_45 {strides = array<i32>} : memref<400x128xf32, #tpu.memory_space<vmem>>, vector<400x128xf32>,
    return
  }
  func.func @transform_0(%arg0: i32) -> (i32, i32, i32) {
    %c0_i32 = arith.constant 0 : i32
    %c0_i32_0 = arith.constant 0 : i32
    %c0_i32_1 = arith.constant 0 : i32
    return %c0_i32, %arg0, %c0_i32_0 : i32, i32, i32
  }
  func.func @transform_1(%arg0: i32) -> (i32, i32, i32) {
    %c0_i32 = arith.constant 0 : i32
    %c0_i32_0 = arith.constant 0 : i32
    %c0_i32_1 = arith.constant 0 : i32
    return %c0_i32, %arg0, %c0_i32_0 : i32, i32, i32
  }
  func.func @transform_2(%arg0: i32) -> (i32, i32) {
    %c0_i32 = arith.constant 0 : i32
    %c0_i32_0 = arith.constant 0 : i32
    return %arg0, %c0_i32 : i32, i32
  }
  func.func @transform_3(%arg0: i32) -> (i32, i32) {
    %c0_i32 = arith.constant 0 : i32
    %c0_i32_0 = arith.constant 0 : i32
    %c0_i32_1 = arith.constant 0 : i32
    return %c0_i32, %c0_i32_0 : i32, i32
  }
  func.func @transform_4(%arg0: i32) -> (i32, i32) {
    %c0_i32 = arith.constant 0 : i32
    %c0_i32_0 = arith.constant 0 : i32
    %c0_i32_1 = arith.constant 0 : i32
    return %c0_i32, %c0_i32_0 : i32, i32
  }
  func.func @transform_5(%arg0: i32) -> (i32, i32) {
    %c0_i32 = arith.constant 0 : i32
    %c0_i32_0 = arith.constant 0 : i32
    %c0_i32_1 = arith.constant 0 : i32
    return %c0_i32, %c0_i32_0 : i32, i32
  }
  func.func @transform_6(%arg0: i32) -> (i32, i32) {
    %c0_i32 = arith.constant 0 : i32
    %c0_i32_0 = arith.constant 0 : i32
    return %arg0, %c0_i32 : i32, i32
  }
}

module attributes {stable_mosaic.version = 14 : i64} {
  func.func @_dense_body(%arg0: i32, %arg1: memref<2x400x128xf32, #tpu.memory_space<vmem>>, %arg2: memref<2x400x1xf32, #tpu.memory_space<vmem>>, %arg3: memref<400x128xf32, #tpu.memory_space<vmem>>, %arg4: memref<128x128xf32, #tpu.memory_space<vmem>>, %arg5: memref<128x128xf32, #tpu.memory_space<vmem>>, %arg6: memref<1x128xf32, #tpu.memory_space<vmem>>, %arg7: memref<400x128xf32, #tpu.memory_space<vmem>>) attributes {dimension_semantics = [#tpu.dimension_semantics<arbitrary>], iteration_bounds = array<i64: 25>, scalar_prefetch = 0 : i64, scratch_operands = 0 : i64, tpu.core_type = #tpu.core_type<tc>, window_params = [{transform_indices = @transform_0, window_bounds = array<i64: 2, 400, 128>}, {transform_indices = @transform_1, window_bounds = array<i64: 2, 400, 1>}, {transform_indices = @transform_2, window_bounds = array<i64: 400, 128>}, {pipeline_mode = #tpu.pipeline_mode<synchronous>, transform_indices = @transform_3, window_bounds = array<i64: 128, 128>}, {pipeline_mode = #tpu.pipeline_mode<synchronous>, transform_indices = @transform_4, window_bounds = array<i64: 128, 128>}, {pipeline_mode = #tpu.pipeline_mode<synchronous>, transform_indices = @transform_5, window_bounds = array<i64: 1, 128>}, {transform_indices = @transform_6, window_bounds = array<i64: 400, 128>}]} {
    %get3A = arith.constant 0 : index
    %get3A_0 = arith.constant 0 : index
    %get3A_1 = arith.constant 0 : index
    %get3A_2 = vector.load %arg1[%get3A, %get3A_0, %get3A_1] : memref<2x400x128xf32, #tpu.memory_space<vmem>>, vector<1x400x128xf32>
    %get3A_3 = vector.shape_cast %get3A_2 : vector<1x400x128xf32> to vector<400x128xf32>
    %get3A_4 = arith.constant 1 : index
    %get3A_5 = arith.constant 0 : index
    %get3A_6 = arith.constant 0 : index
    %get3A_7 = vector.load %arg1[%get3A_4, %get3A_5, %get3A_6] : memref<2x400x128xf32, #tpu.memory_space<vmem>>, vector<1x400x128xf32>
    %get3A_8 = vector.shape_cast %get3A_7 : vector<1x400x128xf32> to vector<400x128xf32>
    %add3A = arith.addf %get3A_3, %get3A_8 : vector<400x128xf32>
    %get3A_9 = arith.constant 0 : index
    %get3A_10 = arith.constant 0 : index
    %get3A_11 = arith.constant 0 : index
    %get3A_12 = vector.load %arg2[%get3A_9, %get3A_10, %get3A_11] : memref<2x400x1xf32, #tpu.memory_space<vmem>>, vector<1x400x1xf32>
    %get3A_13 = vector.shape_cast %get3A_12 : vector<1x400x1xf32> to vector<400x1xf32>
    %get3A_14 = arith.constant 1 : index
    %get3A_15 = arith.constant 0 : index
    %get3A_16 = arith.constant 0 : index
    %get3A_17 = vector.load %arg2[%get3A_14, %get3A_15, %get3A_16] : memref<2x400x1xf32, #tpu.memory_space<vmem>>, vector<1x400x1xf32>
    %get3A_18 = vector.shape_cast %get3A_17 : vector<1x400x1xf32> to vector<400x1xf32>
    %add3A_19 = arith.addf %get3A_13, %get3A_18 : vector<400x1xf32>
    %max3A = arith.constant 1.000000e+00 : f32
    %max3A_20 = vector.broadcast %max3A : f32 to vector<400x1xf32>
    %max3A_21 = arith.maximumf %add3A_19, %max3A_20 : vector<400x1xf32>
    %div3A = arith.constant 1.000000e+00 : f32
    %div3A_22 = vector.broadcast %div3A : f32 to vector<400x1xf32>
    %div3A_23 = arith.divf %div3A_22, %max3A_21 : vector<400x1xf32>
    %mul3A = vector.broadcast %div3A_23 : vector<400x1xf32> to vector<400x128xf32>
    %mul3A_24 = arith.mulf %add3A, %mul3A : vector<400x128xf32>
    %get3A_25 = arith.constant 0 : index
    %get3A_26 = arith.constant 0 : index
    %get3A_27 = vector.load %arg4[%get3A_25, %get3A_26] : memref<128x128xf32, #tpu.memory_space<vmem>>, vector<128x128xf32>
    %dot_general3A = arith.constant dense<0.000000e+00> : vector<400x128xf32>
    %dot_general3A_28 = tpu.matmul %mul3A_24, %get3A_27, %dot_general3A {dimension_numbers = #tpu.dot_dimension_numbers<[1], [0], [0], [1], [0, 0, 1, 1], [], []>, precision = #tpu.contract_precision<fp32>, transpose_lhs_hint = false} : vector<400x128xf32>, vector<128x128xf32>, vector<400x128xf32> -> vector<400x128xf32>
    %get3A_29 = arith.constant 0 : index
    %get3A_30 = arith.constant 0 : index
    %get3A_31 = vector.load %arg3[%get3A_29, %get3A_30] : memref<400x128xf32, #tpu.memory_space<vmem>>, vector<400x128xf32>
    %get3A_32 = arith.constant 0 : index
    %get3A_33 = arith.constant 0 : index
    %get3A_34 = vector.load %arg5[%get3A_32, %get3A_33] : memref<128x128xf32, #tpu.memory_space<vmem>>, vector<128x128xf32>
    %dot_general3A_35 = arith.constant dense<0.000000e+00> : vector<400x128xf32>
    %dot_general3A_36 = tpu.matmul %get3A_31, %get3A_34, %dot_general3A_35 {dimension_numbers = #tpu.dot_dimension_numbers<[1], [0], [0], [1], [0, 0, 1, 1], [], []>, precision = #tpu.contract_precision<fp32>, transpose_lhs_hint = false} : vector<400x128xf32>, vector<128x128xf32>, vector<400x128xf32> -> vector<400x128xf32>
    %add3A_37 = arith.addf %dot_general3A_28, %dot_general3A_36 : vector<400x128xf32>
    %get3A_38 = arith.constant 0 : index
    %get3A_39 = arith.constant 0 : index
    %get3A_40 = vector.load %arg6[%get3A_38, %get3A_39] : memref<1x128xf32, #tpu.memory_space<vmem>>, vector<1x128xf32>
    %add3A_41 = vector.broadcast %get3A_40 : vector<1x128xf32> to vector<400x128xf32>
    %add3A_42 = arith.addf %add3A_37, %add3A_41 : vector<400x128xf32>
    %swap3A = arith.constant 0 : index
    %swap3A_43 = arith.constant 0 : index
    %swap3A_44 = vector.load %arg7[%swap3A, %swap3A_43] : memref<400x128xf32, #tpu.memory_space<vmem>>, vector<400x128xf32>
    tpu.vector_store %arg7[%swap3A, %swap3A_43], %add3A_42 {strides = array<i32>} : memref<400x128xf32, #tpu.memory_space<vmem>>, vector<400x128xf32>,
    return
  }
  func.func @transform_0(%arg0: i32) -> (i32, i32, i32) {
    %c0_i32 = arith.constant 0 : i32
    %c0_i32_0 = arith.constant 0 : i32
    %c0_i32_1 = arith.constant 0 : i32
    return %c0_i32, %arg0, %c0_i32_0 : i32, i32, i32
  }
  func.func @transform_1(%arg0: i32) -> (i32, i32, i32) {
    %c0_i32 = arith.constant 0 : i32
    %c0_i32_0 = arith.constant 0 : i32
    %c0_i32_1 = arith.constant 0 : i32
    return %c0_i32, %arg0, %c0_i32_0 : i32, i32, i32
  }
  func.func @transform_2(%arg0: i32) -> (i32, i32) {
    %c0_i32 = arith.constant 0 : i32
    %c0_i32_0 = arith.constant 0 : i32
    return %arg0, %c0_i32 : i32, i32
  }
  func.func @transform_3(%arg0: i32) -> (i32, i32) {
    %c0_i32 = arith.constant 0 : i32
    %c0_i32_0 = arith.constant 0 : i32
    %c0_i32_1 = arith.constant 0 : i32
    return %c0_i32, %c0_i32_0 : i32, i32
  }
  func.func @transform_4(%arg0: i32) -> (i32, i32) {
    %c0_i32 = arith.constant 0 : i32
    %c0_i32_0 = arith.constant 0 : i32
    %c0_i32_1 = arith.constant 0 : i32
    return %c0_i32, %c0_i32_0 : i32, i32
  }
  func.func @transform_5(%arg0: i32) -> (i32, i32) {
    %c0_i32 = arith.constant 0 : i32
    %c0_i32_0 = arith.constant 0 : i32
    %c0_i32_1 = arith.constant 0 : i32
    return %c0_i32, %c0_i32_0 : i32, i32
  }
  func.func @transform_6(%arg0: i32) -> (i32, i32) {
    %c0_i32 = arith.constant 0 : i32
    %c0_i32_0 = arith.constant 0 : i32
    return %arg0, %c0_i32 : i32, i32
  }
}

</mosaic_0001>

<sc_bundles>
// kernel: kernel.6.cloned.1.call-start
scs
__scs_entry_jumppad:
0x0: {  	(pc) =	sbr.rel $0x88, $3  }
0x1: {  	(tag) =	ssettag $0x0;
	lr =	simm.s32 $0x1  }
0x2: {  	[smem:$0x3F99] =	sst lr;
	_ =	strace $0xD0000000  }
0x3: {  	_ = 	snop  }
0x4: {  	_ = 	snop  }
0x5: {  	_ = 	snop  }
0x6: {  	_ = 	snop  }
0x7: {  	_ = 	snop  }
__scs_overlays_trampoline_lowered:
0x8: {  	[smem:$0x3FA8] =	sst s0  }
0x9: {  	[smem:$0x3FA9] =	sst s1  }
0xa: {  	[smem:$0x3FAA] =	sst s2  }
0xb: {  	[smem:$0x3FAB] =	sst s3  }
0xc: {  	[smem:$0x3FAC] =	sst s4  }
0xd: {  	[smem:$0x3FAD] =	sst s5  }
0xe: {  	[smem:$0x3FAE] =	sst s6  }
0xf: {  	[smem:$0x3FAF] =	sst s7  }
0x10: {  	[smem:$0x3FB0] =	sst s8  }
0x11: {  	[smem:$0x3FB1] =	sst s9;
	s0 =	simm.s32 @!p0 $0x0  }
0x12: {  	s1 =	sld [smem:$0x3F97];
	s0 =	simm.s32 @p0 $0x1  }
0x13: {  	[smem:$0x3FB2] =	sst s0;
	s0 =	simm.s32 @!p1 $0x0  }
0x14: {  	s2 =	sld [smem:$0x3F96];
	s0 =	simm.s32 @p1 $0x1  }
0x15: {  	[smem:$0x3FB3] =	sst s0;
	s0 =	simm.s32 @!p2 $0x0  }
0x16: {  	s3 =	sld [smem:$0x3FDB];
	s0 =	simm.s32 @p2 $0x1  }
0x17: {  	s4 =	simm.s32 $0x1BF5;
	[smem:$0x3FB5] =	sst s0  }
0x18: {  	s0 =	sld [smem:$0x3F98];
	_ =	swait.ge [sflag:s4], $0x0  }
0x19: {  	s7 =	sld [smem:$0x3F99]  }
0x1a: {  	s8 =	sadd.s32 $0xFFFFE003, lr  }
0x1b: {  	s9 =	sadd.s32 $0xFFFFFEF7, lr;
	s5 =	simm.s32 $0xFFFFFFFF;
	p2 =	slt.u32 s8, $0xFFFFF086  }
0x1c: {  	p1 =	slt.u32 s9, $0xF7A;
	s5 =	simm.s32 @!p2 $0x0  }
0x1d: {  	s5 =	simm.s32 @p1 $0x1;
	p0 =	seq.s32 s7, s2  }
0x1e: {  	s7 =	smul.u32 @!p0 $0xF7A, s2;
	p2 =	seq.s32 @!p0 s5, $0x0  }
0x1f: {  	s9 =	smul.u32 $0xF7A, s1;
	s8 =	simm.s32 @!p0 $0x1BF5;
	p2 =	por !p2, p0  }
0x20: {  	[sflag:s8] =	ssyncset.s32 @!p0 $0xFFFFF086;
	s6 =	sadd.s32 @!p0 s3, s7;
	s7 =	simm.s32 @!p0 $0x108  }
0x21: {  	s3 =	sadd.s32 s3, s9;
	s6 =	sadd.s32 @!p0 $0x88, s6;
	s7 =	simm.s32 @p2 $0x1082  }
0x22: {  	[simem:s7], [sflag:s8] =	dma.local @!p0 [hbm:s6], $0xF7A  }
0x23: {  	s9 =	sor.u32 $0xD0000000, s2;
	s6 =	simm.s32 $0x108;
	_ =	swait.ge @!p0 [sflag:s8], $0x0  }
0x24: {  	s3 =	sadd.s32 $0x88, s3;
	s6 =	simm.s32 @!p1 $0x1082;
	[sflag:s4] =	ssyncset.s32 $0xFFFFF086  }
0x25: {  	[simem:s6], [sflag:s4] =	dma.local [hbm:s3], $0xF7A  }
0x26: {  	[smem:$0x3F99] =	sst s1;
	(tag) =	ssettag s2;
	_ =	strace s9  }
0x27: {  	s1 =	sld [smem:$0x3FA9]  }
0x28: {  	s2 =	sld [smem:$0x3FAA]  }
0x29: {  	s4 =	sld [smem:$0x3FAC]  }
0x2a: {  	p0 =	seq.s32 s5, $0x0;
	s5 =	sld [smem:$0x3FAD]  }
0x2b: {  	s6 =	sld [smem:$0x3FAE]  }
0x2c: {  	s7 =	sld [smem:$0x3FAF]  }
0x2d: {  	s3 =	simm.s32 $0x108;
	s8 =	sld [smem:$0x3FB0]  }
0x2e: {  	s3 =	simm.s32 @!p0 $0x1082;
	s9 =	sld [smem:$0x3FB1]  }
0x2f: {  	lr =	sadd.s32 s0, s3;
	s0 =	sld [smem:$0x3FA8]  }
0x30: {  	s3 =	sld [smem:$0x3FAB]  }
0x31: {  	[smem:$0x3FB4] =	sst s10  }
0x32: {  	s10 =	sld [smem:$0x3FB2];
	_ =	sdelay $0x3  }
0x33: {  	p0 =	seq.s32 s10, $0x1;
	s10 =	sld [smem:$0x3FB4];
	_ =	sdelay $0x3  }
0x34: {  	[smem:$0x3FB4] =	sst s10  }
0x35: {  	s10 =	sld [smem:$0x3FB3];
	_ =	sdelay $0x3  }
0x36: {  	p1 =	seq.s32 s10, $0x1;
	s10 =	sld [smem:$0x3FB4];
	_ =	sdelay $0x3  }
0x37: {  	[smem:$0x3FB4] =	sst s10  }
0x38: {  	s10 =	sld [smem:$0x3FB5]  }
0x39: {  	_ = 	snop;
	(pc) =	sbr.ind lr, $3  }
0x3a: {  	_ = 	snop  }
0x3b: {  	_ = 	snop  }
0x3c: {  	p2 =	seq.s32 s10, $0x1;
	s10 =	sld [smem:$0x3FB4]  }
0x3d: {  	_ =	shalt  }
0x3e: {  	_ =	shalt  }
0x3f: {  	_ =	shalt  }
0x40: {  	_ =	shalt  }
0x41: {  	_ =	shalt  }
0x42: {  	_ =	shalt  }
0x43: {  	_ =	shalt  }
0x44: {  	_ =	shalt  }
0x45: {  	_ =	shalt  }
0x46: {  	_ =	shalt  }
0x47: {  	_ =	shalt  }
0x48: {  	_ =	shalt  }
0x49: {  	_ =	shalt  }
0x4a: {  	_ =	shalt  }
0x4b: {  	_ =	shalt  }
0x4c: {  	_ =	shalt  }
0x4d: {  	_ =	shalt  }
0x4e: {  	_ =	shalt  }
0x4f: {  	_ =	shalt  }
0x50: {  	_ =	shalt  }
0x51: {  	_ =	shalt  }
0x52: {  	_ =	shalt  }
0x53: {  	_ =	shalt  }
0x54: {  	_ =	shalt  }
0x55: {  	_ =	shalt  }
0x56: {  	_ =	shalt  }
0x57: {  	_ =	shalt  }
0x58: {  	_ =	shalt  }
0x59: {  	_ =	shalt  }
0x5a: {  	_ =	shalt  }
0x5b: {  	_ =	shalt  }
0x5c: {  	_ =	shalt  }
0x5d: {  	_ =	shalt  }
0x5e: {  	_ =	shalt  }
0x5f: {  	_ =	shalt  }
0x60: {  	_ =	shalt  }
0x61: {  	_ =	shalt  }
0x62: {  	_ =	shalt  }
0x63: {  	_ =	shalt  }
0x64: {  	_ =	shalt  }
0x65: {  	_ =	shalt  }
0x66: {  	_ =	shalt  }
0x67: {  	_ =	shalt  }
0x68: {  	_ =	shalt  }
0x69: {  	_ =	shalt  }
0x6a: {  	_ =	shalt  }
0x6b: {  	_ =	shalt  }
0x6c: {  	_ =	shalt  }
0x6d: {  	_ =	shalt  }
0x6e: {  	_ =	shalt  }
0x6f: {  	_ =	shalt  }
0x70: {  	_ =	shalt  }
0x71: {  	_ =	shalt  }
0x72: {  	_ =	shalt  }
0x73: {  	_ =	shalt  }
0x74: {  	_ =	shalt  }
0x75: {  	_ =	shalt  }
0x76: {  	_ =	shalt  }
0x77: {  	_ =	shalt  }
0x78: {  	_ =	shalt  }
0x79: {  	_ =	shalt  }
0x7a: {  	_ =	shalt  }
0x7b: {  	_ =	shalt  }
0x7c: {  	_ =	shalt  }
0x7d: {  	_ =	shalt  }
0x7e: {  	_ =	shalt  }
0x7f: {  	_ =	shalt  }
0x80: {  	_ =	shalt  }
0x81: {  	_ =	shalt  }
0x82: {  	_ =	shalt  }
0x83: {  	_ =	shalt  }
0x84: {  	_ =	shalt  }
0x85: {  	_ =	shalt  }
0x86: {  	_ =	shalt  }
0x87: {  	_ =	shalt  }
.Lfunc_end0:
.L_simem_size_0:
called_computation_lowered:
.L_overlay_start_0:
0x88: {  	s2 =	sld [smem:$0x3FD9]  }
0x89: {  	s3 =	sld [smem:$0x3FFE];
	_ =	sdelay $0x1  }
0x8a: {  	s1 =	srdreg.scid  }
0x8b: {  	s0 =	sand.u32 $0x1, s1  }
0x8c: {  	s17 =	sshll.u32 s0, $0xA;
	s2 =	sadd.s32 s3, s2  }
0x8d: {  	s2 =	sadd.s32 s2, s17  }
0x8e: {  	[smem:$0x3FC0] =	sst s2  }
0x8f: {  	_ = 	snop  }
0x90: {  	s2 =	sld [smem:$0x3FC9]  }
0x91: {  	s18 =	sld [smem:$0x3FD0];
	(tm) =	ssettm $0x1  }
0x92: {  	s4 =	sld [smem:$0x3FFB];
	_ =	sdelay $0x3  }
0x93: {  	_ =	strace s4  }
0x94: {  	s4 =	sld [smem:$0x3FFC];
	_ =	sdelay $0x3  }
0x95: {  	_ =	strace s4  }
0x96: {  	s4 =	sld [smem:$0x3FFD];
	_ =	sdelay $0x3  }
0x97: {  	_ =	strace s4  }
0x98: {  	_ =	strace $0x8FFFFFFF  }
0x99: {  	s19 =	sld [smem:$0x3FDB];
	_ =	sdelay $0x1  }
0x9a: {  	s5 =	simm.s32 $_scs_section_size  }
0x9b: {  	s6 =	simm.s32 $_size__tile_overlayer_lowered;
	s7 =	simm.s32 $_tile_overlayer_lowered  }
0x9c: {  	s22 =	simm.s32 $0x1BFF;
	s21 =	sshll.u32 s7, $0x1;
	s4 =	sadd.s32 s5, s19  }
0x9d: {  	s8 =	simm.s32 $0x0;
	s20 =	sshll.u32 s6, $0x1;
	s6 =	sadd.s32 s21, s4  }
0x9e: {  	[timem:s8], [sflag:s22] =	dma.local [hbm:s6], s20  }
0x9f: {  	_ =	swait.ge [sflag:s22], s20  }
0xa0: {  	s5 =	ssub.s32 $0x0, s20;
	[sflag:s22] =	ssyncset.done $0x0  }
0xa1: {  	[sflag:s22] =	ssyncadd.s32 s5;
	_ =	sdelay $0x1  }
0xa2: {  	s23 =	simm.s32 $0x1B8B  }
0xa3: {  	_ =	swait.ge [sflag:s23], $0x1  }
0xa4: {  	[sflag:s23] =	ssyncset.done $0x0  }
0xa5: {  	s25 =	simm.s32 $0x1B8E;
	s24 =	sld [smem:$0x3FFE];
	[sflag:s23] =	ssyncadd.s32 $0xFFFFFFFF  }
0xa6: {  	s26 =	simm.s32 $execute0_lowered;
	[smem:$0x3FD2] =	sst s25  }
0xa7: {  	s6 =	sshll.u32 s26, $0x1;
	_ =	strace $0x80000046;
	[dreg:$0x1] =	wrdreg $0xFFFFFFFF  }
0xa8: {  	s28 =	simm.s32 $_size_execute0_lowered;
	s4 =	sadd.s32 s4, s6;
	[dreg:$0x0] =	wrdreg $0x0  }
0xa9: {  	s6 =	sshll.u32 s28, $0x1;
	[dreg:$0x2] =	wrdreg s4  }
0xaa: {  	[dreg:$0x3] =	wrdreg s6  }
0xab: {  	[dreg:$0x4] =	wrdreg $0xC0  }
0xac: {  	_ =	task [dreg:s8], $0x5FFFF  }
0xad: {  	[dreg:$0x1] =	wrdreg $0xFFFFFFFF  }
0xae: {  	[dreg:$0x0] =	wrdreg $0x60  }
0xaf: {  	[dreg:$0x2] =	wrdreg s2  }
0xb0: {  	[dreg:$0x3] =	wrdreg s24  }
0xb1: {  	[dreg:$0x4] =	wrdreg s18  }
0xb2: {  	[dreg:$0x5] =	wrdreg $0xB8000  }
0xb3: {  	[dreg:$0x6] =	wrdreg $0x1F8000  }
0xb4: {  	[dreg:$0x7] =	wrdreg $0x9  }
0xb5: {  	_ =	task.clear_ibuf [dreg:s8], $0x8FFFF;
	_ =	strace $0x90000046  }
0xb6: {  	s29 =	simm.s32 $0x9;
	_ =	strace $0x80000048  }
0xb7: {  	_ =	swait.ge [sflag:s29], $0x1  }
0xb8: {  	[sflag:s29] =	ssyncadd.s32 $0xFFFFFFFF  }
0xb9: {  	_ =	strace $0x90000048  }
0xba: {  	_ =	sfence  }
0xbb: {  	s30 =	sld [smem:$0x0];
	_ =	sdelay $0x2  }
0xbc: {  	s31 =	sshll.u32 s1, $0xD;
	s1 =	sshrl.u32 s1, $0x2  }
0xbd: {  	s3 =	sand.u32 $0x4000, s31;
	s1 =	sadd.s32 s1, s30  }
0xbe: {  	s0 =	sor.u32 s3, s0;
	s1 =	sshll.u32 s1, $0x11  }
0xbf: {  	s0 =	sor.u32 s1, s0  }
0xc0: {  	s0 =	sadd.s32 $0x8F2B, s0  }
0xc1: {  	[sflag:s0] =	ssyncadd.remote.s32 $0x1  }
0xc2: {  	_ =	sfence.sel $0xFFFF  }
0xc3: {  	[dreg:$0x0] =	wrdreg $0xFFFFFFFF;
	(pc) =	sbr.abs _section_cstart, $3  }
0xc4: {  	[dreg:$0x1] =	wrdreg $0xFFFFFFFF  }
0xc5: {  	_ =	task.clear_ibuf [dreg:s8], $0x2FFFF;
	_ =	strace $0x9FFFFFFF  }
0xc6: {  	(tm) =	ssettm $0x7FFFFFFF  }
0xc7: {  	_ =	shalt  }
tec
execute0_lowered:
.L_overlay_start_1:
0x0: {  	(tag) =	ssettag $0x1  }
0x1: {  	s1 =	rddreg [dreg:$0x0]  }
0x2: {  	s8 =	rddreg [dreg:$0x1]  }
0x3: {  	s13 =	rddreg [dreg:$0x2]  }
0x4: {  	s3 =	rddreg [dreg:$0x3];
	s2 =	stileid.u32  }
0x5: {  	s4 =	rddreg [dreg:$0x4];
	s23 =	smul.u32 $0x280, s2  }
0x6: {  	s6 =	srdreg.scid;
	s20 =	simm.s32 $0x2800;
	s12 =	smul.u32 $0x14000, s2  }
0x7: {  	s21 =	simm.s32 $0x9000;
	s28 =	simm.s32 $0x0;
	s17 =	smul.u32 $0x50000, s2  }
0x8: {  	s5 =	sshrl.u32 s2, $0x2;
	s9 =	sshll.u32 s2, $0x8;
	s29 =	smul.u32 $0x500, s2  }
0x9: {  	s10 =	sand.u32 $0x1, s6;
	s26 =	sshll.u32 s2, $0x6;
	s7 =	smul.u32 $0x14000, s5  }
0xa: {  	s5 =	simm.s32 $0x0;
	s22 =	sand.u32 $0x300, s9;
	s11 =	sshll.u32 s10, $0x7  }
0xb: {  	s24 =	smul.u32 $0x140000, s10;
	s10 =	ssub.s32 $0x2, s10;
	[smem:$0x7FF] =	sst s5  }
0xc: {  	s15 =	sshrl.u32 s23, $0x3;
	s16 =	sshrl.u32 s10, $0x1;
	s25 =	sshrl.u32 s17, $0x2  }
0xd: {  	s19 =	sadd.s32 s23, s4;
	s30 =	sor.u32 s11, s29;
	s23 =	simm.s32 $0x1  }
0xe: {  	s6 =	sor.u32 s7, s22;
	_ =	strace $0x80000047;
	s15 =	sadd.s32 s15, s8  }
0xf: {  	s7 =	sadd.s32 s12, s24;
	s16 =	ssub.s32 s10, s16;
	s18 =	sadd.s32 s25, s3  }
0x10: {  	s31 =	sshrl.u32 s30, $0x3;
	s17 =	sshrl.u32 s19, $0x3;
	s19 =	simm.s32 $0x400  }
0x11: {  	s22 =	simm.s32 $0x5000;
	s24 =	simm.s32 $0x2;
	s25 =	simm.s32 $0x20  }
0x12: {  	s6 =	sor.u32 s11, s6;
	s12 =	sshrl.u32 s7, $0x3;
	s7 =	sadd.s32 $0x16400, s8  }
0x13: {  	s9 =	sadd.s32 $0x16A00, s15;
	s13 =	sadd.s32 s13, s31;
	s15 =	sshrl.u32 s18, $0x3  }
0x14: {  	s18 =	simm.s32 $0x80;
	s6 =	sshrl.u32 s6, $0x3;
	s12 =	sadd.s32 s12, s8  }
0x15: {  	s14 =	sadd.s32 s6, s8;
	s6 =	sadd.s32 $0x17000, s8;
	s8 =	sor.u32 $0x1C03, s26  }
0x16: {  	s12 =	sadd.s32 $0x19800, s12;
	s26 =	simm.s32 $0x10;
	s10 =	sadd.s32 $0xC400, s14  }
0x17: {  	s11 =	sadd.s32 $0x2400, s14;
	s14 =	smax.u32 s16, $0x1;
	s16 =	simm.s32 $0x3  }
.LBB2_1:
0x18: {  	[spmem:s15], [sflag:s8] =	dma.local [hbm:s6], $0x2800  }
0x19: {  	_ =	swait.ge [sflag:s16], $0x2800  }
0x1a: {  	[sflag:s16] =	ssyncset.done $0x0  }
0x1b: {  	[sflag:s16] =	ssyncadd.s32 $0xFFFFD800  }
0x1c: {  	[spmem:s17], [sflag:s8] =	dma.local [hbm:s9], $0x50  }
0x1d: {  	_ =	swait.ge [sflag:s16], $0x50  }
0x1e: {  	[sflag:s16] =	ssyncset.done $0x0  }
0x1f: {  	[sflag:s16] =	ssyncadd.s32 $0xFFFFFFB0  }
0x20: {  	[tilespmem:s5], [sflag:$0x3] =	stream.strided.gather [hbm4b:s10+s18], $0x2800, s19, s18, $0x38;
	[tilespmem:$0x1FA80] =	vst v63  }
0x21: {  	_ =	swait.ge [sflag:s16], $0x2800  }
0x22: {  	[sflag:s16] =	ssyncset.done $0x0  }
0x23: {  	[sflag:s16] =	ssyncadd.s32 $0xFFFFD800  }
0x24: {  	[tilespmem:s20], [sflag:$0x3] =	stream.strided.gather [hbm4b:s11+s18], $0x2800, s19, s18, $0x38;
	[tilespmem:$0x1FA80] =	vst v63  }
0x25: {  	_ =	swait.ge [sflag:s16], $0x2800  }
0x26: {  	[sflag:s16] =	ssyncset.done $0x0  }
0x27: {  	[sflag:s16] =	ssyncadd.s32 $0xFFFFD800  }
0x28: {  	[tilespmem:s21], [sflag:$0x3] =	stream.linear.gather [hbm4b:s7+s5], $0x2800, $0x38;
	[tilespmem:$0x1FA80] =	vst v63  }
0x29: {  	_ =	swait.ge [sflag:s16], $0x2800  }
0x2a: {  	[sflag:s16] =	ssyncset.done $0x0  }
0x2b: {  	[sflag:s16] =	ssyncadd.s32 $0xFFFFD800  }
0x2c: {  	[bflag:$0x0] =	sbarrier.arrive $0xFFFF  }
0x2d: {  	[spmem:s4] =	stream.indirect.scatter.add.f32 [tilespmem:s21], [sflag:$0x2], $0x1, s20, s20, $0xb8;
	[tilespmem:$0x1FA80] =	vst v63  }
0x2e: {  	s29 =	simm.s32 $0x0  }
0x2f: {  	[tilespmem:s22], [sflag:$0x1] =	stream.indirect.gather [hbm4b:s1+s18], $0x80, s29, s18, $0xb8;
	[tilespmem:$0x1FA80] =	vst v63  }
0x30: {  	_ =	swait.ge [sflag:s23], $0x4000  }
0x31: {  	[sflag:s23] =	ssyncset.done $0x0  }
0x32: {  	s29 =	simm.s32 $0x2800;
	[sflag:s23] =	ssyncadd.s32 $0xFFFFC000  }
0x33: {  	[spmem:s3] =	stream.indirect.scatter.add.f32 [tilespmem:s22], [sflag:$0x3], $0x80, s29, s18, $0xb8;
	[tilespmem:$0x1FA80] =	vst v63  }
0x34: {  	_ =	swait.ge [sflag:s16], $0x4000  }
0x35: {  	s30 =	simm.s32 $0x400;
	s29 =	simm.s32 $0x200;
	[sflag:s16] =	ssyncset.done $0x0  }
.LBB2_2:
0x36: {  	s31 =	sshra.s32 s29, $0x2  }
0x37: {  	[sflag:s16] =	ssyncadd.s32 $0xFFFFC000;
	s29 =	smov.u32 s30;
	s0 =	sadd.s32 $0x200, s30  }
0x38: {  	[tilespmem:s22], [sflag:$0x1] =	stream.indirect.gather [hbm4b:s1+s18], $0x80, s31, s18, $0xb8;
	[tilespmem:$0x1FA80] =	vst v63  }
0x39: {  	p0 =	sne.s32 s30, $0x9E00;
	_ =	swait.ge [sflag:s23], $0x4000  }
.Ltmp0:
0x3a: {  	[sflag:s23] =	ssyncset.done $0x0;
	(pc) =	sbr.rel @p0 .LBB2_2-.Ltmp0, $4  }
0x3b: {  	s30 =	sadd.s32 $0x2800, s31;
	[sflag:s23] =	ssyncadd.s32 $0xFFFFC000  }
0x3c: {  	[spmem:s3] =	stream.indirect.scatter.add.f32 [tilespmem:s22], [sflag:$0x3], $0x80, s30, s18, $0xb8;
	[tilespmem:$0x1FA80] =	vst v63  }
0x3d: {  	_ =	swait.ge [sflag:s16], $0x4000  }
0x3e: {  	s30 =	smov.u32 s0;
	[sflag:s16] =	ssyncset.done $0x0  }
0x3f: {  	s0 =	sshra.s32 s29, $0x2;
	[sflag:s16] =	ssyncadd.s32 $0xFFFFC000  }
0x40: {  	[tilespmem:s22], [sflag:$0x1] =	stream.indirect.gather [hbm4b:s1+s18], $0x80, s0, s18, $0xb8;
	[tilespmem:$0x1FA80] =	vst v63  }
0x41: {  	_ =	swait.ge [sflag:s23], $0x4000  }
0x42: {  	[sflag:s23] =	ssyncset.done $0x0  }
0x43: {  	s0 =	sadd.s32 $0x2800, s0;
	[sflag:s23] =	ssyncadd.s32 $0xFFFFC000  }
0x44: {  	[spmem:s3] =	stream.indirect.scatter.add.f32 [tilespmem:s22], [sflag:$0x3], $0x80, s0, s18, $0xb8;
	[tilespmem:$0x1FA80] =	vst v63  }
0x45: {  	_ =	swait.ge [sflag:s16], $0x4000  }
0x46: {  	[sflag:s16] =	ssyncset.done $0x0  }
0x47: {  	[sflag:s16] =	ssyncadd.s32 $0xFFFFC000  }
0x48: {  	_ =	swait.ge [sflag:s24], $0x2800  }
0x49: {  	[sflag:s24] =	ssyncset.done $0x0  }
0x4a: {  	[sflag:s24] =	ssyncadd.s32 $0xFFFFD800  }
0x4b: {  	[bflag:$0x0] =	sbarrier.arrive $0xFFFF  }
0x4c: {  	[hbm:s12], [sflag:s8] =	dma.local [spmem:s15], $0x2800  }
0x4d: {  	s28 =	sadd.s32 $0x1, s28;
	_ =	swait.ge [sflag:s16], $0x2800  }
0x4e: {  	p0 =	sne.s32 s28, s14;
	[sflag:s16] =	ssyncset.done $0x0  }
.Ltmp1:
0x4f: {  	[sflag:s16] =	ssyncadd.s32 $0xFFFFD800;
	(pc) =	sbr.rel @p0 .LBB2_1-.Ltmp1, $4  }
0x50: {  	[hbm:s13@s25], [sflag:s8] =	dma.strided [spmem:s17@s26], $0x50, s23, $0x10   }
0x51: {  	_ =	swait.ge [sflag:s16], $0x50  }
0x52: {  	[sflag:s16] =	ssyncset.done $0x0  }
0x53: {  	[sflag:s16] =	ssyncadd.s32 $0xFFFFFFB0  }
0x54: {  	_ =	sfence.sel $0x180000  }
0x55: {  	[bflag:$0x0] =	sbarrier.arrive $0xFFFF  }
0x56: {  	_ =	strace $0x90000047  }
0x57: {  	[bflag:$0x2] =	sbarrier.arrive $0xFFFF  }
0x58: {  	p0 =	sne.s32 s2, $0x0;
	s0 =	rddreg [dreg:$0x5]  }
0x59: {  	s0 =	sadd.s32 @!p0 $0x100000, s0  }
0x5a: {  	[sflag:s0] =	ssyncadd.tile.s32 @!p0 $0x1;
	_ =	shalt  }
.Lfunc_end2:
_tile_overlayer_lowered:
.L_overlay_start_2:
0x5b: {  	(tag) =	ssettag $0x2  }
0x5c: {  	s0 =	rddreg [dreg:$0x0];
	s2 =	stileid.u32  }
0x5d: {  	s1 =	rddreg [dreg:$0x1];
	p0 =	sne.s32 s2, $0x0  }
0x5e: {  	s3 =	rddreg [dreg:$0x2];
	[bflag:$0x3] =	sbarrier.arrive $0xFFFF;
	s2 =	simm.s32 @!p0 $0x1C03  }
0x5f: {  	[timem:s3], [sflag:s2] =	dma.local @!p0 [hbm:s0], s1  }
0x60: {  	s0 =	simm.s32 @!p0 $0x3  }
0x61: {  	_ =	swait.ge @!p0 [sflag:s0], s1  }
0x62: {  	s1 =	ssub.s32 @!p0 $0x0, s1;
	[sflag:s0] =	ssyncset.done @!p0 $0x0  }
0x63: {  	[sflag:s0] =	ssyncadd.s32 @!p0 s1  }
0x64: {  	[bflag:$0x3] =	sbarrier.arrive $0xFFFF  }
0x65: {  	_ =	shalt  }

// kernel: kernel.9.cloned.1.call-start
scs
__scs_entry_jumppad:
0x0: {  	(pc) =	sbr.rel $0x88, $3  }
0x1: {  	(tag) =	ssettag $0x0;
	lr =	simm.s32 $0x1  }
0x2: {  	[smem:$0x3F99] =	sst lr;
	_ =	strace $0xD0000000  }
0x3: {  	_ = 	snop  }
0x4: {  	_ = 	snop  }
0x5: {  	_ = 	snop  }
0x6: {  	_ = 	snop  }
0x7: {  	_ = 	snop  }
__scs_overlays_trampoline_lowered:
0x8: {  	[smem:$0x3FA8] =	sst s0  }
0x9: {  	[smem:$0x3FA9] =	sst s1  }
0xa: {  	[smem:$0x3FAA] =	sst s2  }
0xb: {  	[smem:$0x3FAB] =	sst s3  }
0xc: {  	[smem:$0x3FAC] =	sst s4  }
0xd: {  	[smem:$0x3FAD] =	sst s5  }
0xe: {  	[smem:$0x3FAE] =	sst s6  }
0xf: {  	[smem:$0x3FAF] =	sst s7  }
0x10: {  	[smem:$0x3FB0] =	sst s8  }
0x11: {  	[smem:$0x3FB1] =	sst s9;
	s0 =	simm.s32 @!p0 $0x0  }
0x12: {  	s1 =	sld [smem:$0x3F97];
	s0 =	simm.s32 @p0 $0x1  }
0x13: {  	[smem:$0x3FB2] =	sst s0;
	s0 =	simm.s32 @!p1 $0x0  }
0x14: {  	s2 =	sld [smem:$0x3F96];
	s0 =	simm.s32 @p1 $0x1  }
0x15: {  	[smem:$0x3FB3] =	sst s0;
	s0 =	simm.s32 @!p2 $0x0  }
0x16: {  	s3 =	sld [smem:$0x3FDB];
	s0 =	simm.s32 @p2 $0x1  }
0x17: {  	s4 =	simm.s32 $0x1BF5;
	[smem:$0x3FB5] =	sst s0  }
0x18: {  	s0 =	sld [smem:$0x3F98];
	_ =	swait.ge [sflag:s4], $0x0  }
0x19: {  	s7 =	sld [smem:$0x3F99]  }
0x1a: {  	s8 =	sadd.s32 $0xFFFFE003, lr  }
0x1b: {  	s9 =	sadd.s32 $0xFFFFFEF7, lr;
	s5 =	simm.s32 $0xFFFFFFFF;
	p2 =	slt.u32 s8, $0xFFFFF086  }
0x1c: {  	p1 =	slt.u32 s9, $0xF7A;
	s5 =	simm.s32 @!p2 $0x0  }
0x1d: {  	s5 =	simm.s32 @p1 $0x1;
	p0 =	seq.s32 s7, s2  }
0x1e: {  	s7 =	smul.u32 @!p0 $0xF7A, s2;
	p2 =	seq.s32 @!p0 s5, $0x0  }
0x1f: {  	s9 =	smul.u32 $0xF7A, s1;
	s8 =	simm.s32 @!p0 $0x1BF5;
	p2 =	por !p2, p0  }
0x20: {  	[sflag:s8] =	ssyncset.s32 @!p0 $0xFFFFF086;
	s6 =	sadd.s32 @!p0 s3, s7;
	s7 =	simm.s32 @!p0 $0x108  }
0x21: {  	s3 =	sadd.s32 s3, s9;
	s6 =	sadd.s32 @!p0 $0x88, s6;
	s7 =	simm.s32 @p2 $0x1082  }
0x22: {  	[simem:s7], [sflag:s8] =	dma.local @!p0 [hbm:s6], $0xF7A  }
0x23: {  	s9 =	sor.u32 $0xD0000000, s2;
	s6 =	simm.s32 $0x108;
	_ =	swait.ge @!p0 [sflag:s8], $0x0  }
0x24: {  	s3 =	sadd.s32 $0x88, s3;
	s6 =	simm.s32 @!p1 $0x1082;
	[sflag:s4] =	ssyncset.s32 $0xFFFFF086  }
0x25: {  	[simem:s6], [sflag:s4] =	dma.local [hbm:s3], $0xF7A  }
0x26: {  	[smem:$0x3F99] =	sst s1;
	(tag) =	ssettag s2;
	_ =	strace s9  }
0x27: {  	s1 =	sld [smem:$0x3FA9]  }
0x28: {  	s2 =	sld [smem:$0x3FAA]  }
0x29: {  	s4 =	sld [smem:$0x3FAC]  }
0x2a: {  	p0 =	seq.s32 s5, $0x0;
	s5 =	sld [smem:$0x3FAD]  }
0x2b: {  	s6 =	sld [smem:$0x3FAE]  }
0x2c: {  	s7 =	sld [smem:$0x3FAF]  }
0x2d: {  	s3 =	simm.s32 $0x108;
	s8 =	sld [smem:$0x3FB0]  }
0x2e: {  	s3 =	simm.s32 @!p0 $0x1082;
	s9 =	sld [smem:$0x3FB1]  }
0x2f: {  	lr =	sadd.s32 s0, s3;
	s0 =	sld [smem:$0x3FA8]  }
0x30: {  	s3 =	sld [smem:$0x3FAB]  }
0x31: {  	[smem:$0x3FB4] =	sst s10  }
0x32: {  	s10 =	sld [smem:$0x3FB2];
	_ =	sdelay $0x3  }
0x33: {  	p0 =	seq.s32 s10, $0x1;
	s10 =	sld [smem:$0x3FB4];
	_ =	sdelay $0x3  }
0x34: {  	[smem:$0x3FB4] =	sst s10  }
0x35: {  	s10 =	sld [smem:$0x3FB3];
	_ =	sdelay $0x3  }
0x36: {  	p1 =	seq.s32 s10, $0x1;
	s10 =	sld [smem:$0x3FB4];
	_ =	sdelay $0x3  }
0x37: {  	[smem:$0x3FB4] =	sst s10  }
0x38: {  	s10 =	sld [smem:$0x3FB5]  }
0x39: {  	_ = 	snop;
	(pc) =	sbr.ind lr, $3  }
0x3a: {  	_ = 	snop  }
0x3b: {  	_ = 	snop  }
0x3c: {  	p2 =	seq.s32 s10, $0x1;
	s10 =	sld [smem:$0x3FB4]  }
0x3d: {  	_ =	shalt  }
0x3e: {  	_ =	shalt  }
0x3f: {  	_ =	shalt  }
0x40: {  	_ =	shalt  }
0x41: {  	_ =	shalt  }
0x42: {  	_ =	shalt  }
0x43: {  	_ =	shalt  }
0x44: {  	_ =	shalt  }
0x45: {  	_ =	shalt  }
0x46: {  	_ =	shalt  }
0x47: {  	_ =	shalt  }
0x48: {  	_ =	shalt  }
0x49: {  	_ =	shalt  }
0x4a: {  	_ =	shalt  }
0x4b: {  	_ =	shalt  }
0x4c: {  	_ =	shalt  }
0x4d: {  	_ =	shalt  }
0x4e: {  	_ =	shalt  }
0x4f: {  	_ =	shalt  }
0x50: {  	_ =	shalt  }
0x51: {  	_ =	shalt  }
0x52: {  	_ =	shalt  }
0x53: {  	_ =	shalt  }
0x54: {  	_ =	shalt  }
0x55: {  	_ =	shalt  }
0x56: {  	_ =	shalt  }
0x57: {  	_ =	shalt  }
0x58: {  	_ =	shalt  }
0x59: {  	_ =	shalt  }
0x5a: {  	_ =	shalt  }
0x5b: {  	_ =	shalt  }
0x5c: {  	_ =	shalt  }
0x5d: {  	_ =	shalt  }
0x5e: {  	_ =	shalt  }
0x5f: {  	_ =	shalt  }
0x60: {  	_ =	shalt  }
0x61: {  	_ =	shalt  }
0x62: {  	_ =	shalt  }
0x63: {  	_ =	shalt  }
0x64: {  	_ =	shalt  }
0x65: {  	_ =	shalt  }
0x66: {  	_ =	shalt  }
0x67: {  	_ =	shalt  }
0x68: {  	_ =	shalt  }
0x69: {  	_ =	shalt  }
0x6a: {  	_ =	shalt  }
0x6b: {  	_ =	shalt  }
0x6c: {  	_ =	shalt  }
0x6d: {  	_ =	shalt  }
0x6e: {  	_ =	shalt  }
0x6f: {  	_ =	shalt  }
0x70: {  	_ =	shalt  }
0x71: {  	_ =	shalt  }
0x72: {  	_ =	shalt  }
0x73: {  	_ =	shalt  }
0x74: {  	_ =	shalt  }
0x75: {  	_ =	shalt  }
0x76: {  	_ =	shalt  }
0x77: {  	_ =	shalt  }
0x78: {  	_ =	shalt  }
0x79: {  	_ =	shalt  }
0x7a: {  	_ =	shalt  }
0x7b: {  	_ =	shalt  }
0x7c: {  	_ =	shalt  }
0x7d: {  	_ =	shalt  }
0x7e: {  	_ =	shalt  }
0x7f: {  	_ =	shalt  }
0x80: {  	_ =	shalt  }
0x81: {  	_ =	shalt  }
0x82: {  	_ =	shalt  }
0x83: {  	_ =	shalt  }
0x84: {  	_ =	shalt  }
0x85: {  	_ =	shalt  }
0x86: {  	_ =	shalt  }
0x87: {  	_ =	shalt  }
.Lfunc_end0:
.L_simem_size_0:
called_computation.1_lowered:
.L_overlay_start_0:
0x88: {  	s2 =	sld [smem:$0x3FD9]  }
0x89: {  	s3 =	sld [smem:$0x3FFE];
	_ =	sdelay $0x1  }
0x8a: {  	s1 =	srdreg.scid  }
0x8b: {  	s0 =	sand.u32 $0x1, s1  }
0x8c: {  	s17 =	sshll.u32 s0, $0xA;
	s2 =	sadd.s32 s3, s2  }
0x8d: {  	s2 =	sadd.s32 s2, s17  }
0x8e: {  	[smem:$0x3FC0] =	sst s2  }
0x8f: {  	_ = 	snop  }
0x90: {  	s2 =	sld [smem:$0x3FD0];
	(tm) =	ssettm $0x1  }
0x91: {  	s18 =	sld [smem:$0x3FFB];
	_ =	sdelay $0x3  }
0x92: {  	_ =	strace s18  }
0x93: {  	s3 =	sld [smem:$0x3FFC];
	_ =	sdelay $0x3  }
0x94: {  	_ =	strace s3  }
0x95: {  	s3 =	sld [smem:$0x3FFD];
	_ =	sdelay $0x3  }
0x96: {  	_ =	strace s3  }
0x97: {  	_ =	strace $0x8FFFFFFF  }
0x98: {  	s19 =	sld [smem:$0x3FDB];
	_ =	sdelay $0x1  }
0x99: {  	s4 =	simm.s32 $_scs_section_size  }
0x9a: {  	s5 =	simm.s32 $_size__tile_overlayer_lowered;
	s6 =	simm.s32 $_tile_overlayer_lowered  }
0x9b: {  	s22 =	simm.s32 $0x1BFF;
	s21 =	sshll.u32 s6, $0x1;
	s3 =	sadd.s32 s4, s19  }
0x9c: {  	s7 =	simm.s32 $0x0;
	s20 =	sshll.u32 s5, $0x1;
	s5 =	sadd.s32 s21, s3  }
0x9d: {  	[timem:s7], [sflag:s22] =	dma.local [hbm:s5], s20  }
0x9e: {  	_ =	swait.ge [sflag:s22], s20  }
0x9f: {  	s4 =	ssub.s32 $0x0, s20;
	[sflag:s22] =	ssyncset.done $0x0  }
0xa0: {  	[sflag:s22] =	ssyncadd.s32 s4;
	_ =	sdelay $0x1  }
0xa1: {  	s23 =	simm.s32 $0x1B8B  }
0xa2: {  	_ =	swait.ge [sflag:s23], $0x1  }
0xa3: {  	[sflag:s23] =	ssyncset.done $0x0  }
0xa4: {  	s25 =	simm.s32 $0x1B8E;
	s24 =	sld [smem:$0x3FFE];
	[sflag:s23] =	ssyncadd.s32 $0xFFFFFFFF  }
0xa5: {  	s26 =	simm.s32 $execute0_lowered;
	[smem:$0x3FD2] =	sst s25  }
0xa6: {  	s5 =	sshll.u32 s26, $0x1;
	_ =	strace $0x80000049;
	[dreg:$0x1] =	wrdreg $0xFFFFFFFF  }
0xa7: {  	s28 =	simm.s32 $_size_execute0_lowered;
	s3 =	sadd.s32 s3, s5;
	[dreg:$0x0] =	wrdreg $0x0  }
0xa8: {  	s5 =	sshll.u32 s28, $0x1;
	[dreg:$0x2] =	wrdreg s3  }
0xa9: {  	[dreg:$0x3] =	wrdreg s5  }
0xaa: {  	[dreg:$0x4] =	wrdreg $0xC0  }
0xab: {  	_ =	task [dreg:s7], $0x5FFFF  }
0xac: {  	[dreg:$0x1] =	wrdreg $0xFFFFFFFF  }
0xad: {  	[dreg:$0x0] =	wrdreg $0x60  }
0xae: {  	[dreg:$0x2] =	wrdreg s2  }
0xaf: {  	[dreg:$0x3] =	wrdreg s24  }
0xb0: {  	[dreg:$0x4] =	wrdreg $0xB8000  }
0xb1: {  	[dreg:$0x5] =	wrdreg $0x1F8000  }
0xb2: {  	[dreg:$0x6] =	wrdreg $0x9  }
0xb3: {  	_ =	task.clear_ibuf [dreg:s7], $0x7FFFF;
	_ =	strace $0x90000049  }
0xb4: {  	s29 =	simm.s32 $0x9;
	_ =	strace $0x8000004B  }
0xb5: {  	_ =	swait.ge [sflag:s29], $0x1  }
0xb6: {  	[sflag:s29] =	ssyncadd.s32 $0xFFFFFFFF  }
0xb7: {  	_ =	strace $0x9000004B  }
0xb8: {  	_ =	sfence  }
0xb9: {  	s30 =	sld [smem:$0x0];
	_ =	sdelay $0x2  }
0xba: {  	s31 =	sshll.u32 s1, $0xD;
	s1 =	sshrl.u32 s1, $0x2  }
0xbb: {  	s3 =	sand.u32 $0x4000, s31;
	s1 =	sadd.s32 s1, s30  }
0xbc: {  	s0 =	sor.u32 s3, s0;
	s1 =	sshll.u32 s1, $0x11  }
0xbd: {  	s0 =	sor.u32 s1, s0  }
0xbe: {  	s0 =	sadd.s32 $0x8F2B, s0  }
0xbf: {  	[sflag:s0] =	ssyncadd.remote.s32 $0x1  }
0xc0: {  	_ =	sfence.sel $0xFFFF  }
0xc1: {  	[dreg:$0x0] =	wrdreg $0xFFFFFFFF;
	(pc) =	sbr.abs _section_cstart, $3  }
0xc2: {  	[dreg:$0x1] =	wrdreg $0xFFFFFFFF  }
0xc3: {  	_ =	task.clear_ibuf [dreg:s7], $0x2FFFF;
	_ =	strace $0x9FFFFFFF  }
0xc4: {  	(tm) =	ssettm $0x7FFFFFFF  }
0xc5: {  	_ =	shalt  }
tec
execute0_lowered:
.L_overlay_start_1:
0x0: {  	(tag) =	ssettag $0x1  }
0x1: {  	s1 =	rddreg [dreg:$0x0]  }
0x2: {  	s8 =	rddreg [dreg:$0x1]  }
0x3: {  	s0 =	stileid.u32;
	s2 =	rddreg [dreg:$0x2]  }
0x4: {  	s5 =	srdreg.scid;
	s4 =	rddreg [dreg:$0x3];
	s19 =	simm.s32 $0x400  }
0x5: {  	s20 =	simm.s32 $0x2800;
	s21 =	simm.s32 $0x9000;
	s11 =	smul.u32 $0x280, s0  }
0x6: {  	s28 =	simm.s32 $0x0;
	s3 =	sshrl.u32 s0, $0x2;
	s14 =	smul.u32 $0x14000, s0  }
0x7: {  	s22 =	sshll.u32 s0, $0x8;
	s9 =	sand.u32 $0x1, s5;
	s15 =	smul.u32 $0x500, s0  }
0x8: {  	s5 =	simm.s32 $0x0;
	s24 =	smul.u32 $0x50000, s0;
	s31 =	sshll.u32 s0, $0x6  }
0x9: {  	s6 =	smul.u32 $0x14000, s3;
	s23 =	sand.u32 $0x300, s22;
	s10 =	sshll.u32 s9, $0x7  }
0xa: {  	[smem:$0x7FF] =	sst s5;
	s12 =	smul.u32 $0x140000, s9;
	s9 =	ssub.s32 $0x2, s9  }
0xb: {  	s22 =	simm.s32 $0x5000;
	_ =	strace $0x8000004A;
	s7 =	sshrl.u32 s11, $0x3  }
0xc: {  	s26 =	sshrl.u32 s9, $0x1;
	s29 =	sshrl.u32 s24, $0x2;
	s18 =	sadd.s32 s11, s4  }
0xd: {  	s24 =	simm.s32 $0x2;
	s6 =	sor.u32 s6, s23;
	s16 =	sadd.s32 s7, s8  }
0xe: {  	s7 =	sadd.s32 $0x16400, s8;
	s12 =	sadd.s32 s14, s12;
	s30 =	ssub.s32 s9, s26  }
0xf: {  	s17 =	sadd.s32 s29, s2;
	s23 =	simm.s32 $0x1;
	s26 =	simm.s32 $0x10  }
0x10: {  	s6 =	sor.u32 s10, s6;
	s12 =	sshrl.u32 s12, $0x3;
	s10 =	sor.u32 s10, s15  }
0x11: {  	s9 =	sadd.s32 $0x16A00, s16;
	s14 =	smax.u32 s30, $0x1;
	s15 =	sshrl.u32 s17, $0x3  }
0x12: {  	s16 =	simm.s32 $0x3;
	s17 =	sshrl.u32 s18, $0x3;
	s18 =	simm.s32 $0x80  }
0x13: {  	s6 =	sshrl.u32 s6, $0x3;
	s12 =	sadd.s32 s12, s8;
	s10 =	sshrl.u32 s10, $0x3  }
0x14: {  	s13 =	sadd.s32 s6, s8;
	s6 =	sadd.s32 $0x17000, s8;
	s25 =	sadd.s32 s10, s8  }
0x15: {  	s8 =	sor.u32 $0x1C03, s31;
	s12 =	sadd.s32 $0xB9800, s12;
	s10 =	sadd.s32 $0xC400, s13  }
0x16: {  	s11 =	sadd.s32 $0x2400, s13;
	s13 =	sadd.s32 $0x19800, s25;
	s25 =	simm.s32 $0x20  }
.LBB2_1:
0x17: {  	[spmem:s15], [sflag:s8] =	dma.local [hbm:s6], $0x2800  }
0x18: {  	_ =	swait.ge [sflag:s16], $0x2800  }
0x19: {  	[sflag:s16] =	ssyncset.done $0x0  }
0x1a: {  	[sflag:s16] =	ssyncadd.s32 $0xFFFFD800  }
0x1b: {  	[spmem:s17], [sflag:s8] =	dma.local [hbm:s9], $0x50  }
0x1c: {  	_ =	swait.ge [sflag:s16], $0x50  }
0x1d: {  	[sflag:s16] =	ssyncset.done $0x0  }
0x1e: {  	[sflag:s16] =	ssyncadd.s32 $0xFFFFFFB0  }
0x1f: {  	[tilespmem:s5], [sflag:$0x3] =	stream.strided.gather [hbm4b:s10+s18], $0x2800, s19, s18, $0x38;
	[tilespmem:$0x1FA80] =	vst v63  }
0x20: {  	_ =	swait.ge [sflag:s16], $0x2800  }
0x21: {  	[sflag:s16] =	ssyncset.done $0x0  }
0x22: {  	[sflag:s16] =	ssyncadd.s32 $0xFFFFD800  }
0x23: {  	[tilespmem:s20], [sflag:$0x3] =	stream.strided.gather [hbm4b:s11+s18], $0x2800, s19, s18, $0x38;
	[tilespmem:$0x1FA80] =	vst v63  }
0x24: {  	_ =	swait.ge [sflag:s16], $0x2800  }
0x25: {  	[sflag:s16] =	ssyncset.done $0x0  }
0x26: {  	[sflag:s16] =	ssyncadd.s32 $0xFFFFD800  }
0x27: {  	[tilespmem:s21], [sflag:$0x3] =	stream.linear.gather [hbm4b:s7+s5], $0x2800, $0x38;
	[tilespmem:$0x1FA80] =	vst v63  }
0x28: {  	_ =	swait.ge [sflag:s16], $0x2800  }
0x29: {  	[sflag:s16] =	ssyncset.done $0x0  }
0x2a: {  	[sflag:s16] =	ssyncadd.s32 $0xFFFFD800  }
0x2b: {  	[bflag:$0x0] =	sbarrier.arrive $0xFFFF  }
0x2c: {  	[spmem:s4] =	stream.indirect.scatter.add.f32 [tilespmem:s21], [sflag:$0x2], $0x1, s20, s20, $0xb8;
	[tilespmem:$0x1FA80] =	vst v63  }
0x2d: {  	s29 =	simm.s32 $0x0  }
0x2e: {  	[tilespmem:s22], [sflag:$0x1] =	stream.indirect.gather [hbm4b:s1+s18], $0x80, s29, s18, $0xb8;
	[tilespmem:$0x1FA80] =	vst v63  }
0x2f: {  	_ =	swait.ge [sflag:s23], $0x4000  }
0x30: {  	[sflag:s23] =	ssyncset.done $0x0  }
0x31: {  	s29 =	simm.s32 $0x2800;
	[sflag:s23] =	ssyncadd.s32 $0xFFFFC000  }
0x32: {  	[spmem:s2] =	stream.indirect.scatter.add.f32 [tilespmem:s22], [sflag:$0x3], $0x80, s29, s18, $0xb8;
	[tilespmem:$0x1FA80] =	vst v63  }
0x33: {  	_ =	swait.ge [sflag:s16], $0x4000  }
0x34: {  	s30 =	simm.s32 $0x400;
	s29 =	simm.s32 $0x200;
	[sflag:s16] =	ssyncset.done $0x0  }
.LBB2_2:
0x35: {  	s31 =	sshra.s32 s29, $0x2  }
0x36: {  	[sflag:s16] =	ssyncadd.s32 $0xFFFFC000;
	s29 =	smov.u32 s30;
	s3 =	sadd.s32 $0x200, s30  }
0x37: {  	[tilespmem:s22], [sflag:$0x1] =	stream.indirect.gather [hbm4b:s1+s18], $0x80, s31, s18, $0xb8;
	[tilespmem:$0x1FA80] =	vst v63  }
0x38: {  	p0 =	sne.s32 s30, $0x9E00;
	_ =	swait.ge [sflag:s23], $0x4000  }
.Ltmp0:
0x39: {  	[sflag:s23] =	ssyncset.done $0x0;
	(pc) =	sbr.rel @p0 .LBB2_2-.Ltmp0, $4  }
0x3a: {  	s30 =	sadd.s32 $0x2800, s31;
	[sflag:s23] =	ssyncadd.s32 $0xFFFFC000  }
0x3b: {  	[spmem:s2] =	stream.indirect.scatter.add.f32 [tilespmem:s22], [sflag:$0x3], $0x80, s30, s18, $0xb8;
	[tilespmem:$0x1FA80] =	vst v63  }
0x3c: {  	_ =	swait.ge [sflag:s16], $0x4000  }
0x3d: {  	s30 =	smov.u32 s3;
	[sflag:s16] =	ssyncset.done $0x0  }
0x3e: {  	s3 =	sshra.s32 s29, $0x2;
	[sflag:s16] =	ssyncadd.s32 $0xFFFFC000  }
0x3f: {  	[tilespmem:s22], [sflag:$0x1] =	stream.indirect.gather [hbm4b:s1+s18], $0x80, s3, s18, $0xb8;
	[tilespmem:$0x1FA80] =	vst v63  }
0x40: {  	_ =	swait.ge [sflag:s23], $0x4000  }
0x41: {  	[sflag:s23] =	ssyncset.done $0x0  }
0x42: {  	s3 =	sadd.s32 $0x2800, s3;
	[sflag:s23] =	ssyncadd.s32 $0xFFFFC000  }
0x43: {  	[spmem:s2] =	stream.indirect.scatter.add.f32 [tilespmem:s22], [sflag:$0x3], $0x80, s3, s18, $0xb8;
	[tilespmem:$0x1FA80] =	vst v63  }
0x44: {  	_ =	swait.ge [sflag:s16], $0x4000  }
0x45: {  	[sflag:s16] =	ssyncset.done $0x0  }
0x46: {  	[sflag:s16] =	ssyncadd.s32 $0xFFFFC000  }
0x47: {  	_ =	swait.ge [sflag:s24], $0x2800  }
0x48: {  	[sflag:s24] =	ssyncset.done $0x0  }
0x49: {  	[sflag:s24] =	ssyncadd.s32 $0xFFFFD800  }
0x4a: {  	[bflag:$0x0] =	sbarrier.arrive $0xFFFF  }
0x4b: {  	[hbm:s12], [sflag:s8] =	dma.local [spmem:s15], $0x2800  }
0x4c: {  	s28 =	sadd.s32 $0x1, s28;
	_ =	swait.ge [sflag:s16], $0x2800  }
0x4d: {  	p0 =	sne.s32 s28, s14;
	[sflag:s16] =	ssyncset.done $0x0  }
.Ltmp1:
0x4e: {  	[sflag:s16] =	ssyncadd.s32 $0xFFFFD800;
	(pc) =	sbr.rel @p0 .LBB2_1-.Ltmp1, $4  }
0x4f: {  	[hbm:s13@s25], [sflag:s8] =	dma.strided [spmem:s17@s26], $0x50, s23, $0x10   }
0x50: {  	_ =	swait.ge [sflag:s16], $0x50  }
0x51: {  	[sflag:s16] =	ssyncset.done $0x0  }
0x52: {  	[sflag:s16] =	ssyncadd.s32 $0xFFFFFFB0  }
0x53: {  	_ =	sfence.sel $0x180000  }
0x54: {  	[bflag:$0x0] =	sbarrier.arrive $0xFFFF  }
0x55: {  	_ =	strace $0x9000004A  }
0x56: {  	[bflag:$0x2] =	sbarrier.arrive $0xFFFF  }
0x57: {  	p0 =	sne.s32 s0, $0x0;
	s0 =	rddreg [dreg:$0x4]  }
0x58: {  	s0 =	sadd.s32 @!p0 $0x100000, s0  }
0x59: {  	[sflag:s0] =	ssyncadd.tile.s32 @!p0 $0x1;
	_ =	shalt  }
.Lfunc_end2:
_tile_overlayer_lowered:
.L_overlay_start_2:
0x5a: {  	(tag) =	ssettag $0x2  }
0x5b: {  	s0 =	rddreg [dreg:$0x0];
	s2 =	stileid.u32  }
0x5c: {  	s1 =	rddreg [dreg:$0x1];
	p0 =	sne.s32 s2, $0x0  }
0x5d: {  	s3 =	rddreg [dreg:$0x2];
	[bflag:$0x3] =	sbarrier.arrive $0xFFFF;
	s2 =	simm.s32 @!p0 $0x1C03  }
0x5e: {  	[timem:s3], [sflag:s2] =	dma.local @!p0 [hbm:s0], s1  }
0x5f: {  	s0 =	simm.s32 @!p0 $0x3  }
0x60: {  	_ =	swait.ge @!p0 [sflag:s0], s1  }
0x61: {  	s1 =	ssub.s32 @!p0 $0x0, s1;
	[sflag:s0] =	ssyncset.done @!p0 $0x0  }
0x62: {  	[sflag:s0] =	ssyncadd.s32 @!p0 s1  }
0x63: {  	[bflag:$0x3] =	sbarrier.arrive $0xFFFF  }
0x64: {  	_ =	shalt  }

</sc_bundles>
